<compile_context>
chip_gen: v7x
topology: tpu7x:2x2x1
jax: 0.10.2.dev20260603
libtpu: 0.0.44.dev20260713+nightly
codegen_flags: <defaults>
</compile_context>

<pallas_src>
import functools

import jax
import jax.numpy as jnp
from jax import lax
from jax.experimental import pallas as pl
from jax.experimental.pallas import tpu as pltpu
from jax.experimental.pallas import tpu_sc as plsc

N = 10000
E = 160000
D_IN = 256
D_H = 512
D_OUT = 3
G = 64
W = 8
NC, NS = 2, 16
NW = NC * NS
C = 128
K = 40
E_PAD = NW * K * C
N_PAD = 10240
RPS = N_PAD // NS
RBLK = 5000
NB = 16
GP = 8
KG = K // GP
PKL = 128
PKR = N_PAD * W // PKL


def _mlp_body(x_ref, w1_ref, b1_ref, w2_ref, o_ref):
    xb = x_ref[...].astype(jnp.bfloat16)
    h = jnp.dot(xb, w1_ref[...], preferred_element_type=jnp.float32)
    h = jnp.maximum(h + b1_ref[...], 0.0).astype(jnp.bfloat16)
    o_ref[...] = jnp.dot(h, w2_ref[...], preferred_element_type=jnp.float32)


def _mlp(x, W1, b1r, w2p):
    return pl.pallas_call(
        _mlp_body,
        grid=(N // RBLK,),
        in_specs=[
            pl.BlockSpec((RBLK, D_IN), lambda i: (i, 0)),
            pl.BlockSpec((D_IN, D_H), lambda i: (0, 0)),
            pl.BlockSpec((1, D_H), lambda i: (0, 0)),
            pl.BlockSpec((D_H, W), lambda i: (0, 0)),
        ],
        out_specs=pl.BlockSpec((RBLK, W), lambda i: (i, 0)),
        out_shape=jax.ShapeDtypeStruct((N_PAD, W), jnp.float32),
    )(x, W1, b1r, w2p)


def _sc_scatter(hw2, ei):
    mesh = plsc.VectorSubcoreMesh(core_axis_name="c", subcore_axis_name="s")

    @functools.partial(
        pl.kernel,
        out_type=jax.ShapeDtypeStruct((NC, N_PAD, W), jnp.float32),
        mesh=mesh,
        compiler_params=pltpu.CompilerParams(use_tc_tiling_on_sc=False),
        scratch_types=[
            pltpu.VMEM((K, C), jnp.int32),
            pltpu.VMEM((K, C), jnp.int32),
            pltpu.VMEM((NB, C, W), jnp.float32),
            pltpu.VMEM_SHARED((N_PAD, W), jnp.float32),
            pltpu.VMEM_SHARED((N_PAD, W), jnp.float32),
            pltpu.SemaphoreType.DMA,
            pltpu.SemaphoreType.DMA,
        ],
    )
    def body(hw2_hbm, ei_hbm, out_hbm,
             src_v, dst_v, rows_v, table, agg, gsem, ssem):
        c = lax.axis_index("c")
        s = lax.axis_index("s")
        wid = s * NC + c
        stg = [
            pltpu.async_copy(hw2_hbm.at[pl.ds(s * RPS, RPS)],
                             table.at[pl.ds(s * RPS, RPS)], gsem),
            pltpu.async_copy(hw2_hbm.at[pl.ds(s * RPS, RPS)],
                             agg.at[pl.ds(s * RPS, RPS)], gsem),
            pltpu.async_copy(ei_hbm.at[0, wid], src_v, gsem),
            pltpu.async_copy(ei_hbm.at[1, wid], dst_v, gsem),
        ]
        for d in stg:
            d.wait()
        plsc.subcore_barrier()

        def group(g, carry):
            p = (g % 2) * GP

            @pl.when(g >= 2)
            def _():
                for i in range(GP):
                    pltpu.make_async_copy(
                        rows_v.at[p + i], agg.at[pl.ds(0, C)], ssem).wait()

            gds = [
                pltpu.async_copy(
                    table.at[src_v.at[g * GP + i]], rows_v.at[p + i], gsem)
                for i in range(GP)
            ]
            for i in range(GP):
                gds[i].wait()
                pltpu.async_copy(
                    rows_v.at[p + i], agg.at[dst_v.at[g * GP + i]], ssem,
                    add=True)
            return carry

        lax.fori_loop(0, KG, group, 0)
        for i in range(2 * GP):
            pltpu.make_async_copy(
                rows_v.at[i % NB], agg.at[pl.ds(0, C)], ssem).wait()
        plsc.subcore_barrier()
        pltpu.sync_copy(agg.at[pl.ds(s * RPS, RPS)],
                        out_hbm.at[c, pl.ds(s * RPS, RPS)])

    return body(hw2, ei)


def _finish_body(hw2_ref, agg_ref, batch_ref, b2_ref, eps_ref, t_ref, o_ref):
    eps = eps_ref[0, 0]
    invt = 1.0 / t_ref[0, 0]
    zp = ((eps - 1.0) * hw2_ref[...] + agg_ref[0] + agg_ref[1] +
          b2_ref[...])
    z = jnp.concatenate([zp[:, 8 * j:8 * j + 8] for j in range(16)], axis=0)
    row = lax.broadcasted_iota(jnp.int32, (N_PAD, W), 0)
    z = jnp.where(lax.rem(row, PKR) < N // 16, z, 0.0)
    col = lax.broadcasted_iota(jnp.int32, (N_PAD, W), 1)
    valid = col < D_OUT
    m = jnp.max(jnp.where(valid, z, -jnp.inf), axis=1, keepdims=True)
    e = jnp.where(valid, jnp.exp(z - m), 0.0)
    ls = z - m - jnp.log(jnp.sum(e, axis=1, keepdims=True))
    lsx = jnp.where(valid, ls, jnp.where(col == D_OUT, 1.0, 0.0))
    onehot_t = (batch_ref[...] ==
                lax.broadcasted_iota(jnp.int32, (G, N_PAD), 0))
    sums = lax.dot_general(onehot_t.astype(jnp.bfloat16),
                           lsx.astype(jnp.bfloat16),
                           (((1,), (0,)), ((), ())),
                           preferred_element_type=jnp.float32)
    colg = lax.broadcasted_iota(jnp.int32, (G, W), 1)
    cnt = jnp.sum(jnp.where(colg == D_OUT, sums, 0.0), axis=1, keepdims=True)
    pooled = sums / jnp.maximum(cnt, 1.0) * invt
    validg = colg < D_OUT
    pm = jnp.max(jnp.where(validg, pooled, -jnp.inf), axis=1, keepdims=True)
    pe = jnp.where(validg, jnp.exp(pooled - pm), 0.0)
    res = pooled - pm - jnp.log(jnp.sum(pe, axis=1, keepdims=True))
    o_ref[...] = res[:, :D_OUT]


def _finish(hw2pk, aggpk, batch_row, b2t, eps, T):
    return pl.pallas_call(
        _finish_body,
        in_specs=[
            pl.BlockSpec((PKR, PKL), lambda: (0, 0)),
            pl.BlockSpec((NC, PKR, PKL), lambda: (0, 0, 0)),
            pl.BlockSpec((1, N_PAD), lambda: (0, 0)),
            pl.BlockSpec((1, PKL), lambda: (0, 0)),
            pl.BlockSpec(memory_space=pltpu.SMEM),
            pl.BlockSpec(memory_space=pltpu.SMEM),
        ],
        out_specs=pl.BlockSpec((G, D_OUT), lambda: (0, 0)),
        out_shape=jax.ShapeDtypeStruct((G, D_OUT), jnp.float32),
    )(hw2pk, aggpk, batch_row, b2t, eps, T)


def kernel(x, edge_index, batch, W1, b1, W2, b2, eps, T):
    w2p = jnp.pad(W2, ((0, 0), (0, W - D_OUT))).astype(jnp.bfloat16)
    b2t = jnp.tile(jnp.pad(b2, (0, W - D_OUT)), PKL // W).reshape(1, PKL)
    b1r = b1.reshape(1, D_H)
    hw2 = _mlp(x, W1.astype(jnp.bfloat16), b1r, w2p)
    hw2f = hw2.reshape(N_PAD * W)
    npad_e = E_PAD - E
    pad_edges = jnp.stack([
        jnp.zeros((npad_e,), jnp.int32),
        N + (jnp.arange(npad_e, dtype=jnp.int32) % (N_PAD - N)),
    ])
    ei = jnp.concatenate([edge_index, pad_edges], axis=1).reshape(2, NW, K, C)
    aggp = _sc_scatter(hw2f.reshape(N_PAD, W), ei)
    aggpk = aggp.reshape(NC, PKR, PKL)
    batch_row = jnp.concatenate(
        [batch, jnp.full((N_PAD - N,), G, jnp.int32)]
    ).reshape(PKR, 16).T.reshape(1, N_PAD)
    return _finish(hw2f.reshape(PKR, PKL), aggpk, batch_row, b2t,
                   eps.reshape(1, 1), T.reshape(1, 1))

# --- scband reference (transcript-rebuilt; emitter-appended) ---
"""Pipeline reference for scband-gin-markov-50242527428616 (READ-ONLY COPY).

The authoritative reference and input builder live on the scoring server;
editing this copy changes nothing except your own understanding.
"""

import jax, jax.numpy as jnp
import numpy as np

N = 10000
E = 160000
D_IN = 256
D_H = 512
D_OUT = 3
G = 64


def setup_inputs(seed: int = 0) -> dict:
    key = jax.random.key(seed)
    ks = jax.random.split(key, 8)
    x = jax.random.normal(ks[0], (N, D_IN), dtype=jnp.float32)
    edge_index = jax.random.randint(ks[1], (2, E), 0, N, dtype=jnp.int32)
    batch = jnp.sort(jax.random.randint(ks[2], (N,), 0, G, dtype=jnp.int32))
    # learned parameters
    W1 = jax.random.normal(ks[3], (D_IN, D_H), dtype=jnp.float32) * (1.0 / np.sqrt(D_IN))
    b1 = jnp.zeros((D_H,), dtype=jnp.float32)
    W2 = jax.random.normal(ks[4], (D_H, D_OUT), dtype=jnp.float32) * (1.0 / np.sqrt(D_H))
    b2 = jnp.zeros((D_OUT,), dtype=jnp.float32)
    eps = jnp.array(2.0, dtype=jnp.float32)  # GINConv train_eps=True, eps=2.0
    T = jnp.array(1.0, dtype=jnp.float32)
    return {"x": x, "edge_index": edge_index, "batch": batch,
            "W1": W1, "b1": b1, "W2": W2, "b2": b2, "eps": eps, "T": T}


def reference(x, edge_index, batch, W1, b1, W2, b2, eps, T):
    # pre-MLP: Linear + ReLU
    h = jax.nn.relu(x @ W1 + b1)
    # GINConv with sum aggregation: nn((1+eps)*x + sum_{j in N(i)} x_j)
    src = edge_index[0]
    dst = edge_index[1]
    msgs = jnp.take(h, src, axis=0)
    agg = jax.ops.segment_sum(msgs, dst, num_segments=N)
    z = ((1.0 + eps) * h + agg) @ W2 + b2
    # torch.cat([log_softmax(z, dim=1)], dim=0) == log_softmax(z, dim=1)
    z = jax.nn.log_softmax(z, axis=1)
    # global_mean_pool over graph ids
    ones = jnp.ones((N,), dtype=z.dtype)
    counts = jax.ops.segment_sum(ones, batch, num_segments=G)
    sums = jax.ops.segment_sum(z, batch, num_segments=G)
    pooled = sums / jnp.clip(counts, 1.0)[:, None]
    out = pooled / T
    out = jax.nn.log_softmax(out, axis=1)
    return out

if __name__ == "__main__":
    import jax
    _d = setup_inputs()
    print(jax.jit(kernel)(*tuple(_d.values())))

</pallas_src>

<mosaic_0001>
#map = affine_map<(d0, d1) -> (0, 0)>
#map1 = affine_map<(d0, d1) -> (0, 0, 0, 0)>
#map2 = affine_map<(d0, d1) -> (0, 0, 0)>
module attributes {stable_mosaic.version = 14 : i64} {
  func.func @body(%arg0: i32, %arg1: i32, %arg2: memref<10240x8xf32, #tpu.memory_space<hbm>>, %arg3: memref<2x32x40x128xi32, #tpu.memory_space<hbm>>, %arg4: memref<2x10240x8xf32, #tpu.memory_space<hbm>>, %arg5: memref<40x128xi32, #tpu.memory_space<vmem>>, %arg6: memref<40x128xi32, #tpu.memory_space<vmem>>, %arg7: memref<16x128x8xf32, #tpu.memory_space<vmem>>, %arg8: memref<10240x8xf32, #tpu.memory_space<vmem_shared>>, %arg9: memref<10240x8xf32, #tpu.memory_space<vmem_shared>>, %arg10: memref<!tpu.dma_semaphore, #tpu.memory_space<semaphore_mem>>, %arg11: memref<!tpu.dma_semaphore, #tpu.memory_space<semaphore_mem>>) attributes {dimension_semantics = [#tpu.dimension_semantics<core_parallel>, #tpu.dimension_semantics<subcore_parallel>], iteration_bounds = array<i64: 2, 16>, scalar_prefetch = 0 : i64, scratch_operands = 7 : i64, tpu.core_type = #tpu.core_type<sc_vector_subcore>, window_params = [{transform_indices = #map}, {transform_indices = #map1}, {transform_indices = #map2}]} {
    %mul3A = arith.constant 2 : i32
    %mul3A_0 = arith.muli %arg1, %mul3A : i32
    %add3A = arith.addi %mul3A_0, %arg0 : i32
    %mul3A_1 = arith.constant 640 : i32
    %mul3A_2 = arith.muli %arg1, %mul3A_1 : i32
    %mul3A_3 = arith.constant 640 : i32
    %mul3A_4 = arith.muli %arg1, %mul3A_3 : i32
    %dma_start3A = arith.constant 0 : i32
    %dma_start3A_5 = tpu.memref_slice %arg8[%mul3A_4, %dma_start3A] : memref<10240x8xf32, #tpu.memory_space<vmem_shared>> -> memref<640x8xf32, #tpu.memory_space<vmem_shared>>
    %dma_start3A_6 = arith.constant 0 : i32
    %dma_start3A_7 = tpu.memref_slice %arg2[%mul3A_2, %dma_start3A_6] : memref<10240x8xf32, #tpu.memory_space<hbm>> -> memref<640x8xf32, #tpu.memory_space<hbm>>
    tpu.enqueue_dma source(%dma_start3A_7 : memref<640x8xf32, #tpu.memory_space<hbm>>) target(%dma_start3A_5 : memref<640x8xf32, #tpu.memory_space<vmem_shared>>) target_semaphore(%arg10 : memref<!tpu.dma_semaphore, #tpu.memory_space<semaphore_mem>>)
    %mul3A_8 = arith.constant 640 : i32
    %mul3A_9 = arith.muli %arg1, %mul3A_8 : i32
    %mul3A_10 = arith.constant 640 : i32
    %mul3A_11 = arith.muli %arg1, %mul3A_10 : i32
    %dma_start3A_12 = arith.constant 0 : i32
    %dma_start3A_13 = tpu.memref_slice %arg9[%mul3A_11, %dma_start3A_12] : memref<10240x8xf32, #tpu.memory_space<vmem_shared>> -> memref<640x8xf32, #tpu.memory_space<vmem_shared>>
    %dma_start3A_14 = arith.constant 0 : i32
    %dma_start3A_15 = tpu.memref_slice %arg2[%mul3A_9, %dma_start3A_14] : memref<10240x8xf32, #tpu.memory_space<hbm>> -> memref<640x8xf32, #tpu.memory_space<hbm>>
    tpu.enqueue_dma source(%dma_start3A_15 : memref<640x8xf32, #tpu.memory_space<hbm>>) target(%dma_start3A_13 : memref<640x8xf32, #tpu.memory_space<vmem_shared>>) target_semaphore(%arg10 : memref<!tpu.dma_semaphore, #tpu.memory_space<semaphore_mem>>)
    %dma_start3A_16 = arith.constant 0 : i32
    %dma_start3A_17 = arith.constant 0 : i32
    %dma_start3A_18 = arith.constant 0 : i32
    %dma_start3A_19 = tpu.memref_slice %arg3[%dma_start3A_16, %add3A, %dma_start3A_17, %dma_start3A_18] : memref<2x32x40x128xi32, #tpu.memory_space<hbm>> -> memref<1x1x40x128xi32, #tpu.memory_space<hbm>>
    %dma_start3A_20 = tpu.memref_squeeze %dma_start3A_19 : memref<1x1x40x128xi32, #tpu.memory_space<hbm>> -> memref<40x128xi32, #tpu.memory_space<hbm>>
    %dma_start3A_21 = arith.constant 0 : i32
    %dma_start3A_22 = arith.constant 0 : i32
    %dma_start3A_23 = tpu.memref_slice %arg3[%dma_start3A_16, %add3A, %dma_start3A_21, %dma_start3A_22] : memref<2x32x40x128xi32, #tpu.memory_space<hbm>> -> memref<1x1x40x128xi32, #tpu.memory_space<hbm>>
    %dma_start3A_24 = tpu.memref_squeeze %dma_start3A_23 : memref<1x1x40x128xi32, #tpu.memory_space<hbm>> -> memref<40x128xi32, #tpu.memory_space<hbm>>
    tpu.enqueue_dma source(%dma_start3A_24 : memref<40x128xi32, #tpu.memory_space<hbm>>) target(%arg5 : memref<40x128xi32, #tpu.memory_space<vmem>>) target_semaphore(%arg10 : memref<!tpu.dma_semaphore, #tpu.memory_space<semaphore_mem>>)
    %dma_start3A_25 = arith.constant 1 : i32
    %dma_start3A_26 = arith.constant 0 : i32
    %dma_start3A_27 = arith.constant 0 : i32
    %dma_start3A_28 = tpu.memref_slice %arg3[%dma_start3A_25, %add3A, %dma_start3A_26, %dma_start3A_27] : memref<2x32x40x128xi32, #tpu.memory_space<hbm>> -> memref<1x1x40x128xi32, #tpu.memory_space<hbm>>
    %dma_start3A_29 = tpu.memref_squeeze %dma_start3A_28 : memref<1x1x40x128xi32, #tpu.memory_space<hbm>> -> memref<40x128xi32, #tpu.memory_space<hbm>>
    %dma_start3A_30 = arith.constant 0 : i32
    %dma_start3A_31 = arith.constant 0 : i32
    %dma_start3A_32 = tpu.memref_slice %arg3[%dma_start3A_25, %add3A, %dma_start3A_30, %dma_start3A_31] : memref<2x32x40x128xi32, #tpu.memory_space<hbm>> -> memref<1x1x40x128xi32, #tpu.memory_space<hbm>>
    %dma_start3A_33 = tpu.memref_squeeze %dma_start3A_32 : memref<1x1x40x128xi32, #tpu.memory_space<hbm>> -> memref<40x128xi32, #tpu.memory_space<hbm>>
    tpu.enqueue_dma source(%dma_start3A_33 : memref<40x128xi32, #tpu.memory_space<hbm>>) target(%arg6 : memref<40x128xi32, #tpu.memory_space<vmem>>) target_semaphore(%arg10 : memref<!tpu.dma_semaphore, #tpu.memory_space<semaphore_mem>>)
    %dma_wait3A = arith.constant 0 : i32
    %dma_wait3A_34 = tpu.memref_slice %arg8[%mul3A_4, %dma_wait3A] : memref<10240x8xf32, #tpu.memory_space<vmem_shared>> -> memref<640x8xf32, #tpu.memory_space<vmem_shared>>
    %dma_wait3A_35 = arith.constant 0 : i32
    %dma_wait3A_36 = tpu.memref_slice %arg2[%mul3A_2, %dma_wait3A_35] : memref<10240x8xf32, #tpu.memory_space<hbm>> -> memref<640x8xf32, #tpu.memory_space<hbm>>
    tpu.wait_dma2 semaphore(%arg10 : memref<!tpu.dma_semaphore, #tpu.memory_space<semaphore_mem>>) src(%dma_wait3A_36 : memref<640x8xf32, #tpu.memory_space<hbm>>) dst(%dma_wait3A_34 : memref<640x8xf32, #tpu.memory_space<vmem_shared>>)
    %dma_wait3A_37 = arith.constant 0 : i32
    %dma_wait3A_38 = tpu.memref_slice %arg9[%mul3A_11, %dma_wait3A_37] : memref<10240x8xf32, #tpu.memory_space<vmem_shared>> -> memref<640x8xf32, #tpu.memory_space<vmem_shared>>
    %dma_wait3A_39 = arith.constant 0 : i32
    %dma_wait3A_40 = tpu.memref_slice %arg2[%mul3A_9, %dma_wait3A_39] : memref<10240x8xf32, #tpu.memory_space<hbm>> -> memref<640x8xf32, #tpu.memory_space<hbm>>
    tpu.wait_dma2 semaphore(%arg10 : memref<!tpu.dma_semaphore, #tpu.memory_space<semaphore_mem>>) src(%dma_wait3A_40 : memref<640x8xf32, #tpu.memory_space<hbm>>) dst(%dma_wait3A_38 : memref<640x8xf32, #tpu.memory_space<vmem_shared>>)
    %dma_wait3A_41 = arith.constant 0 : i32
    %dma_wait3A_42 = arith.constant 0 : i32
    %dma_wait3A_43 = arith.constant 0 : i32
    %dma_wait3A_44 = tpu.memref_slice %arg3[%dma_wait3A_41, %add3A, %dma_wait3A_42, %dma_wait3A_43] : memref<2x32x40x128xi32, #tpu.memory_space<hbm>> -> memref<1x1x40x128xi32, #tpu.memory_space<hbm>>
    %dma_wait3A_45 = tpu.memref_squeeze %dma_wait3A_44 : memref<1x1x40x128xi32, #tpu.memory_space<hbm>> -> memref<40x128xi32, #tpu.memory_space<hbm>>
    %dma_wait3A_46 = arith.constant 0 : i32
    %dma_wait3A_47 = arith.constant 0 : i32
    %dma_wait3A_48 = tpu.memref_slice %arg3[%dma_wait3A_41, %add3A, %dma_wait3A_46, %dma_wait3A_47] : memref<2x32x40x128xi32, #tpu.memory_space<hbm>> -> memref<1x1x40x128xi32, #tpu.memory_space<hbm>>
    %dma_wait3A_49 = tpu.memref_squeeze %dma_wait3A_48 : memref<1x1x40x128xi32, #tpu.memory_space<hbm>> -> memref<40x128xi32, #tpu.memory_space<hbm>>
    tpu.wait_dma2 semaphore(%arg10 : memref<!tpu.dma_semaphore, #tpu.memory_space<semaphore_mem>>) src(%dma_wait3A_49 : memref<40x128xi32, #tpu.memory_space<hbm>>) dst(%arg5 : memref<40x128xi32, #tpu.memory_space<vmem>>)
    %dma_wait3A_50 = arith.constant 1 : i32
    %dma_wait3A_51 = arith.constant 0 : i32
    %dma_wait3A_52 = arith.constant 0 : i32
    %dma_wait3A_53 = tpu.memref_slice %arg3[%dma_wait3A_50, %add3A, %dma_wait3A_51, %dma_wait3A_52] : memref<2x32x40x128xi32, #tpu.memory_space<hbm>> -> memref<1x1x40x128xi32, #tpu.memory_space<hbm>>
    %dma_wait3A_54 = tpu.memref_squeeze %dma_wait3A_53 : memref<1x1x40x128xi32, #tpu.memory_space<hbm>> -> memref<40x128xi32, #tpu.memory_space<hbm>>
    %dma_wait3A_55 = arith.constant 0 : i32
    %dma_wait3A_56 = arith.constant 0 : i32
    %dma_wait3A_57 = tpu.memref_slice %arg3[%dma_wait3A_50, %add3A, %dma_wait3A_55, %dma_wait3A_56] : memref<2x32x40x128xi32, #tpu.memory_space<hbm>> -> memref<1x1x40x128xi32, #tpu.memory_space<hbm>>
    %dma_wait3A_58 = tpu.memref_squeeze %dma_wait3A_57 : memref<1x1x40x128xi32, #tpu.memory_space<hbm>> -> memref<40x128xi32, #tpu.memory_space<hbm>>
    tpu.wait_dma2 semaphore(%arg10 : memref<!tpu.dma_semaphore, #tpu.memory_space<semaphore_mem>>) src(%dma_wait3A_58 : memref<40x128xi32, #tpu.memory_space<hbm>>) dst(%arg6 : memref<40x128xi32, #tpu.memory_space<vmem>>)
    %barrier3A = arith.constant 0 : index
    tpu.barrier barrier_id(%barrier3A)
    %scan3A = arith.constant 0 : i32
    %scan3A_59 = arith.constant 0 : i32
    %scan3A_60 = arith.constant 5 : i32
    %scan3A_61 = arith.addi %scan3A_59, %scan3A_60 : i32
    %scan3A_62 = arith.constant 1 : i32
    scf.for %scan3A_309 = %scan3A_59 to %scan3A_61 step %scan3A_62  : i32 {
      %jit3A = arith.constant 2 : i32
      %eq3A = arith.constant 0 : i32
      %eq3A_310 = arith.cmpi eq, %jit3A, %eq3A : i32
      %jit3A_311 = arith.constant 1 : i32
      %select_n3A = arith.select %eq3A_310, %jit3A_311, %jit3A : i32
      %rem3A = arith.remsi %scan3A_309, %select_n3A : i32
      %ne3A = arith.constant 0 : i32
      %ne3A_312 = arith.cmpi ne, %rem3A, %ne3A : i32
      %lt3A = arith.constant 0 : i32
      %lt3A_313 = arith.cmpi slt, %rem3A, %lt3A : i32
      %lt3A_314 = arith.constant 0 : i32
      %lt3A_315 = arith.cmpi slt, %select_n3A, %lt3A_314 : i32
      %ne3A_316 = arith.xori %lt3A_313, %lt3A_315 : i1
      %and3A = arith.andi %ne3A_316, %ne3A_312 : i1
      %add3A_317 = arith.addi %rem3A, %select_n3A : i32
      %select_n3A_318 = arith.select %and3A, %add3A_317, %rem3A : i32
      %mul3A_319 = arith.constant 8 : i32
      %mul3A_320 = arith.muli %select_n3A_318, %mul3A_319 : i32
      %ge3A = arith.constant 2 : i32
      %ge3A_321 = arith.cmpi sge, %scan3A_309, %ge3A : i32
      %convert_element_type3A = arith.extui %ge3A_321 : i1 to i32
      %cond3A = arith.constant 0 : i32
      %cond3A_322 = arith.cmpi ne, %convert_element_type3A, %cond3A : i32
      scf.if %cond3A_322 {
        %add3A_659 = arith.constant 0 : i32
        %add3A_660 = arith.addi %mul3A_320, %add3A_659 : i32
        %dma_wait3A_661 = arith.constant 0 : i32
        %dma_wait3A_662 = arith.constant 0 : i32
        %dma_wait3A_663 = tpu.memref_slice %arg7[%add3A_660, %dma_wait3A_661, %dma_wait3A_662] : memref<16x128x8xf32, #tpu.memory_space<vmem>> -> memref<1x128x8xf32, #tpu.memory_space<vmem>>
        %dma_wait3A_664 = tpu.memref_squeeze %dma_wait3A_663 : memref<1x128x8xf32, #tpu.memory_space<vmem>> -> memref<128x8xf32, #tpu.memory_space<vmem>>
        %dma_wait3A_665 = arith.constant 0 : i32
        %dma_wait3A_666 = arith.constant 0 : i32
        %dma_wait3A_667 = tpu.memref_slice %arg9[%dma_wait3A_665, %dma_wait3A_666] : memref<10240x8xf32, #tpu.memory_space<vmem_shared>> -> memref<128x8xf32, #tpu.memory_space<vmem_shared>>
        %dma_wait3A_668 = arith.constant 0 : i32
        %dma_wait3A_669 = arith.constant 0 : i32
        %dma_wait3A_670 = tpu.memref_slice %arg9[%dma_wait3A_668, %dma_wait3A_669] : memref<10240x8xf32, #tpu.memory_space<vmem_shared>> -> memref<128x8xf32, #tpu.memory_space<vmem_shared>>
        %dma_wait3A_671 = arith.constant 0 : i32
        %dma_wait3A_672 = arith.constant 0 : i32
        %dma_wait3A_673 = tpu.memref_slice %arg7[%add3A_660, %dma_wait3A_671, %dma_wait3A_672] : memref<16x128x8xf32, #tpu.memory_space<vmem>> -> memref<1x128x8xf32, #tpu.memory_space<vmem>>
        %dma_wait3A_674 = tpu.memref_squeeze %dma_wait3A_673 : memref<1x128x8xf32, #tpu.memory_space<vmem>> -> memref<128x8xf32, #tpu.memory_space<vmem>>
        tpu.wait_dma2 semaphore(%arg11 : memref<!tpu.dma_semaphore, #tpu.memory_space<semaphore_mem>>) src(%dma_wait3A_674 : memref<128x8xf32, #tpu.memory_space<vmem>>) dst(%dma_wait3A_670 : memref<128x8xf32, #tpu.memory_space<vmem_shared>>)
        %add3A_675 = arith.constant 1 : i32
        %add3A_676 = arith.addi %mul3A_320, %add3A_675 : i32
        %dma_wait3A_677 = arith.constant 0 : i32
        %dma_wait3A_678 = arith.constant 0 : i32
        %dma_wait3A_679 = tpu.memref_slice %arg7[%add3A_676, %dma_wait3A_677, %dma_wait3A_678] : memref<16x128x8xf32, #tpu.memory_space<vmem>> -> memref<1x128x8xf32, #tpu.memory_space<vmem>>
        %dma_wait3A_680 = tpu.memref_squeeze %dma_wait3A_679 : memref<1x128x8xf32, #tpu.memory_space<vmem>> -> memref<128x8xf32, #tpu.memory_space<vmem>>
        %dma_wait3A_681 = arith.constant 0 : i32
        %dma_wait3A_682 = arith.constant 0 : i32
        %dma_wait3A_683 = tpu.memref_slice %arg9[%dma_wait3A_681, %dma_wait3A_682] : memref<10240x8xf32, #tpu.memory_space<vmem_shared>> -> memref<128x8xf32, #tpu.memory_space<vmem_shared>>
        %dma_wait3A_684 = arith.constant 0 : i32
        %dma_wait3A_685 = arith.constant 0 : i32
        %dma_wait3A_686 = tpu.memref_slice %arg9[%dma_wait3A_684, %dma_wait3A_685] : memref<10240x8xf32, #tpu.memory_space<vmem_shared>> -> memref<128x8xf32, #tpu.memory_space<vmem_shared>>
        %dma_wait3A_687 = arith.constant 0 : i32
        %dma_wait3A_688 = arith.constant 0 : i32
        %dma_wait3A_689 = tpu.memref_slice %arg7[%add3A_676, %dma_wait3A_687, %dma_wait3A_688] : memref<16x128x8xf32, #tpu.memory_space<vmem>> -> memref<1x128x8xf32, #tpu.memory_space<vmem>>
        %dma_wait3A_690 = tpu.memref_squeeze %dma_wait3A_689 : memref<1x128x8xf32, #tpu.memory_space<vmem>> -> memref<128x8xf32, #tpu.memory_space<vmem>>
        tpu.wait_dma2 semaphore(%arg11 : memref<!tpu.dma_semaphore, #tpu.memory_space<semaphore_mem>>) src(%dma_wait3A_690 : memref<128x8xf32, #tpu.memory_space<vmem>>) dst(%dma_wait3A_686 : memref<128x8xf32, #tpu.memory_space<vmem_shared>>)
        %add3A_691 = arith.constant 2 : i32
        %add3A_692 = arith.addi %mul3A_320, %add3A_691 : i32
        %dma_wait3A_693 = arith.constant 0 : i32
        %dma_wait3A_694 = arith.constant 0 : i32
        %dma_wait3A_695 = tpu.memref_slice %arg7[%add3A_692, %dma_wait3A_693, %dma_wait3A_694] : memref<16x128x8xf32, #tpu.memory_space<vmem>> -> memref<1x128x8xf32, #tpu.memory_space<vmem>>
        %dma_wait3A_696 = tpu.memref_squeeze %dma_wait3A_695 : memref<1x128x8xf32, #tpu.memory_space<vmem>> -> memref<128x8xf32, #tpu.memory_space<vmem>>
        %dma_wait3A_697 = arith.constant 0 : i32
        %dma_wait3A_698 = arith.constant 0 : i32
        %dma_wait3A_699 = tpu.memref_slice %arg9[%dma_wait3A_697, %dma_wait3A_698] : memref<10240x8xf32, #tpu.memory_space<vmem_shared>> -> memref<128x8xf32, #tpu.memory_space<vmem_shared>>
        %dma_wait3A_700 = arith.constant 0 : i32
        %dma_wait3A_701 = arith.constant 0 : i32
        %dma_wait3A_702 = tpu.memref_slice %arg9[%dma_wait3A_700, %dma_wait3A_701] : memref<10240x8xf32, #tpu.memory_space<vmem_shared>> -> memref<128x8xf32, #tpu.memory_space<vmem_shared>>
        %dma_wait3A_703 = arith.constant 0 : i32
        %dma_wait3A_704 = arith.constant 0 : i32
        %dma_wait3A_705 = tpu.memref_slice %arg7[%add3A_692, %dma_wait3A_703, %dma_wait3A_704] : memref<16x128x8xf32, #tpu.memory_space<vmem>> -> memref<1x128x8xf32, #tpu.memory_space<vmem>>
        %dma_wait3A_706 = tpu.memref_squeeze %dma_wait3A_705 : memref<1x128x8xf32, #tpu.memory_space<vmem>> -> memref<128x8xf32, #tpu.memory_space<vmem>>
        tpu.wait_dma2 semaphore(%arg11 : memref<!tpu.dma_semaphore, #tpu.memory_space<semaphore_mem>>) src(%dma_wait3A_706 : memref<128x8xf32, #tpu.memory_space<vmem>>) dst(%dma_wait3A_702 : memref<128x8xf32, #tpu.memory_space<vmem_shared>>)
        %add3A_707 = arith.constant 3 : i32
        %add3A_708 = arith.addi %mul3A_320, %add3A_707 : i32
        %dma_wait3A_709 = arith.constant 0 : i32
        %dma_wait3A_710 = arith.constant 0 : i32
        %dma_wait3A_711 = tpu.memref_slice %arg7[%add3A_708, %dma_wait3A_709, %dma_wait3A_710] : memref<16x128x8xf32, #tpu.memory_space<vmem>> -> memref<1x128x8xf32, #tpu.memory_space<vmem>>
        %dma_wait3A_712 = tpu.memref_squeeze %dma_wait3A_711 : memref<1x128x8xf32, #tpu.memory_space<vmem>> -> memref<128x8xf32, #tpu.memory_space<vmem>>
        %dma_wait3A_713 = arith.constant 0 : i32
        %dma_wait3A_714 = arith.constant 0 : i32
        %dma_wait3A_715 = tpu.memref_slice %arg9[%dma_wait3A_713, %dma_wait3A_714] : memref<10240x8xf32, #tpu.memory_space<vmem_shared>> -> memref<128x8xf32, #tpu.memory_space<vmem_shared>>
        %dma_wait3A_716 = arith.constant 0 : i32
        %dma_wait3A_717 = arith.constant 0 : i32
        %dma_wait3A_718 = tpu.memref_slice %arg9[%dma_wait3A_716, %dma_wait3A_717] : memref<10240x8xf32, #tpu.memory_space<vmem_shared>> -> memref<128x8xf32, #tpu.memory_space<vmem_shared>>
        %dma_wait3A_719 = arith.constant 0 : i32
        %dma_wait3A_720 = arith.constant 0 : i32
        %dma_wait3A_721 = tpu.memref_slice %arg7[%add3A_708, %dma_wait3A_719, %dma_wait3A_720] : memref<16x128x8xf32, #tpu.memory_space<vmem>> -> memref<1x128x8xf32, #tpu.memory_space<vmem>>
        %dma_wait3A_722 = tpu.memref_squeeze %dma_wait3A_721 : memref<1x128x8xf32, #tpu.memory_space<vmem>> -> memref<128x8xf32, #tpu.memory_space<vmem>>
        tpu.wait_dma2 semaphore(%arg11 : memref<!tpu.dma_semaphore, #tpu.memory_space<semaphore_mem>>) src(%dma_wait3A_722 : memref<128x8xf32, #tpu.memory_space<vmem>>) dst(%dma_wait3A_718 : memref<128x8xf32, #tpu.memory_space<vmem_shared>>)
        %add3A_723 = arith.constant 4 : i32
        %add3A_724 = arith.addi %mul3A_320, %add3A_723 : i32
        %dma_wait3A_725 = arith.constant 0 : i32
        %dma_wait3A_726 = arith.constant 0 : i32
        %dma_wait3A_727 = tpu.memref_slice %arg7[%add3A_724, %dma_wait3A_725, %dma_wait3A_726] : memref<16x128x8xf32, #tpu.memory_space<vmem>> -> memref<1x128x8xf32, #tpu.memory_space<vmem>>
        %dma_wait3A_728 = tpu.memref_squeeze %dma_wait3A_727 : memref<1x128x8xf32, #tpu.memory_space<vmem>> -> memref<128x8xf32, #tpu.memory_space<vmem>>
        %dma_wait3A_729 = arith.constant 0 : i32
        %dma_wait3A_730 = arith.constant 0 : i32
        %dma_wait3A_731 = tpu.memref_slice %arg9[%dma_wait3A_729, %dma_wait3A_730] : memref<10240x8xf32, #tpu.memory_space<vmem_shared>> -> memref<128x8xf32, #tpu.memory_space<vmem_shared>>
        %dma_wait3A_732 = arith.constant 0 : i32
        %dma_wait3A_733 = arith.constant 0 : i32
        %dma_wait3A_734 = tpu.memref_slice %arg9[%dma_wait3A_732, %dma_wait3A_733] : memref<10240x8xf32, #tpu.memory_space<vmem_shared>> -> memref<128x8xf32, #tpu.memory_space<vmem_shared>>
        %dma_wait3A_735 = arith.constant 0 : i32
        %dma_wait3A_736 = arith.constant 0 : i32
        %dma_wait3A_737 = tpu.memref_slice %arg7[%add3A_724, %dma_wait3A_735, %dma_wait3A_736] : memref<16x128x8xf32, #tpu.memory_space<vmem>> -> memref<1x128x8xf32, #tpu.memory_space<vmem>>
        %dma_wait3A_738 = tpu.memref_squeeze %dma_wait3A_737 : memref<1x128x8xf32, #tpu.memory_space<vmem>> -> memref<128x8xf32, #tpu.memory_space<vmem>>
        tpu.wait_dma2 semaphore(%arg11 : memref<!tpu.dma_semaphore, #tpu.memory_space<semaphore_mem>>) src(%dma_wait3A_738 : memref<128x8xf32, #tpu.memory_space<vmem>>) dst(%dma_wait3A_734 : memref<128x8xf32, #tpu.memory_space<vmem_shared>>)
        %add3A_739 = arith.constant 5 : i32
        %add3A_740 = arith.addi %mul3A_320, %add3A_739 : i32
        %dma_wait3A_741 = arith.constant 0 : i32
        %dma_wait3A_742 = arith.constant 0 : i32
        %dma_wait3A_743 = tpu.memref_slice %arg7[%add3A_740, %dma_wait3A_741, %dma_wait3A_742] : memref<16x128x8xf32, #tpu.memory_space<vmem>> -> memref<1x128x8xf32, #tpu.memory_space<vmem>>
        %dma_wait3A_744 = tpu.memref_squeeze %dma_wait3A_743 : memref<1x128x8xf32, #tpu.memory_space<vmem>> -> memref<128x8xf32, #tpu.memory_space<vmem>>
        %dma_wait3A_745 = arith.constant 0 : i32
        %dma_wait3A_746 = arith.constant 0 : i32
        %dma_wait3A_747 = tpu.memref_slice %arg9[%dma_wait3A_745, %dma_wait3A_746] : memref<10240x8xf32, #tpu.memory_space<vmem_shared>> -> memref<128x8xf32, #tpu.memory_space<vmem_shared>>
        %dma_wait3A_748 = arith.constant 0 : i32
        %dma_wait3A_749 = arith.constant 0 : i32
        %dma_wait3A_750 = tpu.memref_slice %arg9[%dma_wait3A_748, %dma_wait3A_749] : memref<10240x8xf32, #tpu.memory_space<vmem_shared>> -> memref<128x8xf32, #tpu.memory_space<vmem_shared>>
        %dma_wait3A_751 = arith.constant 0 : i32
        %dma_wait3A_752 = arith.constant 0 : i32
        %dma_wait3A_753 = tpu.memref_slice %arg7[%add3A_740, %dma_wait3A_751, %dma_wait3A_752] : memref<16x128x8xf32, #tpu.memory_space<vmem>> -> memref<1x128x8xf32, #tpu.memory_space<vmem>>
        %dma_wait3A_754 = tpu.memref_squeeze %dma_wait3A_753 : memref<1x128x8xf32, #tpu.memory_space<vmem>> -> memref<128x8xf32, #tpu.memory_space<vmem>>
        tpu.wait_dma2 semaphore(%arg11 : memref<!tpu.dma_semaphore, #tpu.memory_space<semaphore_mem>>) src(%dma_wait3A_754 : memref<128x8xf32, #tpu.memory_space<vmem>>) dst(%dma_wait3A_750 : memref<128x8xf32, #tpu.memory_space<vmem_shared>>)
        %add3A_755 = arith.constant 6 : i32
        %add3A_756 = arith.addi %mul3A_320, %add3A_755 : i32
        %dma_wait3A_757 = arith.constant 0 : i32
        %dma_wait3A_758 = arith.constant 0 : i32
        %dma_wait3A_759 = tpu.memref_slice %arg7[%add3A_756, %dma_wait3A_757, %dma_wait3A_758] : memref<16x128x8xf32, #tpu.memory_space<vmem>> -> memref<1x128x8xf32, #tpu.memory_space<vmem>>
        %dma_wait3A_760 = tpu.memref_squeeze %dma_wait3A_759 : memref<1x128x8xf32, #tpu.memory_space<vmem>> -> memref<128x8xf32, #tpu.memory_space<vmem>>
        %dma_wait3A_761 = arith.constant 0 : i32
        %dma_wait3A_762 = arith.constant 0 : i32
        %dma_wait3A_763 = tpu.memref_slice %arg9[%dma_wait3A_761, %dma_wait3A_762] : memref<10240x8xf32, #tpu.memory_space<vmem_shared>> -> memref<128x8xf32, #tpu.memory_space<vmem_shared>>
        %dma_wait3A_764 = arith.constant 0 : i32
        %dma_wait3A_765 = arith.constant 0 : i32
        %dma_wait3A_766 = tpu.memref_slice %arg9[%dma_wait3A_764, %dma_wait3A_765] : memref<10240x8xf32, #tpu.memory_space<vmem_shared>> -> memref<128x8xf32, #tpu.memory_space<vmem_shared>>
        %dma_wait3A_767 = arith.constant 0 : i32
        %dma_wait3A_768 = arith.constant 0 : i32
        %dma_wait3A_769 = tpu.memref_slice %arg7[%add3A_756, %dma_wait3A_767, %dma_wait3A_768] : memref<16x128x8xf32, #tpu.memory_space<vmem>> -> memref<1x128x8xf32, #tpu.memory_space<vmem>>
        %dma_wait3A_770 = tpu.memref_squeeze %dma_wait3A_769 : memref<1x128x8xf32, #tpu.memory_space<vmem>> -> memref<128x8xf32, #tpu.memory_space<vmem>>
        tpu.wait_dma2 semaphore(%arg11 : memref<!tpu.dma_semaphore, #tpu.memory_space<semaphore_mem>>) src(%dma_wait3A_770 : memref<128x8xf32, #tpu.memory_space<vmem>>) dst(%dma_wait3A_766 : memref<128x8xf32, #tpu.memory_space<vmem_shared>>)
        %add3A_771 = arith.constant 7 : i32
        %add3A_772 = arith.addi %mul3A_320, %add3A_771 : i32
        %dma_wait3A_773 = arith.constant 0 : i32
        %dma_wait3A_774 = arith.constant 0 : i32
        %dma_wait3A_775 = tpu.memref_slice %arg7[%add3A_772, %dma_wait3A_773, %dma_wait3A_774] : memref<16x128x8xf32, #tpu.memory_space<vmem>> -> memref<1x128x8xf32, #tpu.memory_space<vmem>>
        %dma_wait3A_776 = tpu.memref_squeeze %dma_wait3A_775 : memref<1x128x8xf32, #tpu.memory_space<vmem>> -> memref<128x8xf32, #tpu.memory_space<vmem>>
        %dma_wait3A_777 = arith.constant 0 : i32
        %dma_wait3A_778 = arith.constant 0 : i32
        %dma_wait3A_779 = tpu.memref_slice %arg9[%dma_wait3A_777, %dma_wait3A_778] : memref<10240x8xf32, #tpu.memory_space<vmem_shared>> -> memref<128x8xf32, #tpu.memory_space<vmem_shared>>
        %dma_wait3A_780 = arith.constant 0 : i32
        %dma_wait3A_781 = arith.constant 0 : i32
        %dma_wait3A_782 = tpu.memref_slice %arg9[%dma_wait3A_780, %dma_wait3A_781] : memref<10240x8xf32, #tpu.memory_space<vmem_shared>> -> memref<128x8xf32, #tpu.memory_space<vmem_shared>>
        %dma_wait3A_783 = arith.constant 0 : i32
        %dma_wait3A_784 = arith.constant 0 : i32
        %dma_wait3A_785 = tpu.memref_slice %arg7[%add3A_772, %dma_wait3A_783, %dma_wait3A_784] : memref<16x128x8xf32, #tpu.memory_space<vmem>> -> memref<1x128x8xf32, #tpu.memory_space<vmem>>
        %dma_wait3A_786 = tpu.memref_squeeze %dma_wait3A_785 : memref<1x128x8xf32, #tpu.memory_space<vmem>> -> memref<128x8xf32, #tpu.memory_space<vmem>>
        tpu.wait_dma2 semaphore(%arg11 : memref<!tpu.dma_semaphore, #tpu.memory_space<semaphore_mem>>) src(%dma_wait3A_786 : memref<128x8xf32, #tpu.memory_space<vmem>>) dst(%dma_wait3A_782 : memref<128x8xf32, #tpu.memory_space<vmem_shared>>)
      } else {
      }
      %mul3A_323 = arith.constant 8 : i32
      %mul3A_324 = arith.muli %scan3A_309, %mul3A_323 : i32
      %add3A_325 = arith.constant 0 : i32
      %add3A_326 = arith.addi %mul3A_324, %add3A_325 : i32
      %add3A_327 = arith.constant 0 : i32
      %add3A_328 = arith.addi %mul3A_320, %add3A_327 : i32
      %dma_start3A_329 = arith.constant 0 : i32
      %dma_start3A_330 = arith.constant 0 : i32
      %dma_start3A_331 = tpu.memref_slice %arg7[%add3A_328, %dma_start3A_329, %dma_start3A_330] : memref<16x128x8xf32, #tpu.memory_space<vmem>> -> memref<1x128x8xf32, #tpu.memory_space<vmem>>
      %dma_start3A_332 = tpu.memref_squeeze %dma_start3A_331 : memref<1x128x8xf32, #tpu.memory_space<vmem>> -> memref<128x8xf32, #tpu.memory_space<vmem>>
      %dma_start3A_333 = arith.constant 0 : i32
      %dma_start3A_334 = tpu.memref_slice %arg5[%add3A_326, %dma_start3A_333] : memref<40x128xi32, #tpu.memory_space<vmem>> -> memref<1x128xi32, #tpu.memory_space<vmem>>
      %dma_start3A_335 = tpu.memref_squeeze %dma_start3A_334 : memref<1x128xi32, #tpu.memory_space<vmem>> -> memref<128xi32, #tpu.memory_space<vmem>>
      %dma_start3A_336 = arith.constant 0 : i32
      %dma_start3A_337 = arith.constant 0 : i32
      %dma_start3A_338 = tpu.memref_slice %arg8[%dma_start3A_336, %dma_start3A_337] : memref<10240x8xf32, #tpu.memory_space<vmem_shared>> -> memref<10240x8xf32, #tpu.memory_space<vmem_shared>>
      tpu.enqueue_indirect_dma source(%dma_start3A_338 : memref<10240x8xf32, #tpu.memory_space<vmem_shared>>) target(%dma_start3A_332 : memref<128x8xf32, #tpu.memory_space<vmem>>) offsets(%dma_start3A_335 : memref<128xi32, #tpu.memory_space<vmem>>) semaphore(%arg10 : memref<!tpu.dma_semaphore, #tpu.memory_space<semaphore_mem>>)
      %mul3A_339 = arith.constant 8 : i32
      %mul3A_340 = arith.muli %scan3A_309, %mul3A_339 : i32
      %add3A_341 = arith.constant 1 : i32
      %add3A_342 = arith.addi %mul3A_340, %add3A_341 : i32
      %add3A_343 = arith.constant 1 : i32
      %add3A_344 = arith.addi %mul3A_320, %add3A_343 : i32
      %dma_start3A_345 = arith.constant 0 : i32
      %dma_start3A_346 = arith.constant 0 : i32
      %dma_start3A_347 = tpu.memref_slice %arg7[%add3A_344, %dma_start3A_345, %dma_start3A_346] : memref<16x128x8xf32, #tpu.memory_space<vmem>> -> memref<1x128x8xf32, #tpu.memory_space<vmem>>
      %dma_start3A_348 = tpu.memref_squeeze %dma_start3A_347 : memref<1x128x8xf32, #tpu.memory_space<vmem>> -> memref<128x8xf32, #tpu.memory_space<vmem>>
      %dma_start3A_349 = arith.constant 0 : i32
      %dma_start3A_350 = tpu.memref_slice %arg5[%add3A_342, %dma_start3A_349] : memref<40x128xi32, #tpu.memory_space<vmem>> -> memref<1x128xi32, #tpu.memory_space<vmem>>
      %dma_start3A_351 = tpu.memref_squeeze %dma_start3A_350 : memref<1x128xi32, #tpu.memory_space<vmem>> -> memref<128xi32, #tpu.memory_space<vmem>>
      %dma_start3A_352 = arith.constant 0 : i32
      %dma_start3A_353 = arith.constant 0 : i32
      %dma_start3A_354 = tpu.memref_slice %arg8[%dma_start3A_352, %dma_start3A_353] : memref<10240x8xf32, #tpu.memory_space<vmem_shared>> -> memref<10240x8xf32, #tpu.memory_space<vmem_shared>>
      tpu.enqueue_indirect_dma source(%dma_start3A_354 : memref<10240x8xf32, #tpu.memory_space<vmem_shared>>) target(%dma_start3A_348 : memref<128x8xf32, #tpu.memory_space<vmem>>) offsets(%dma_start3A_351 : memref<128xi32, #tpu.memory_space<vmem>>) semaphore(%arg10 : memref<!tpu.dma_semaphore, #tpu.memory_space<semaphore_mem>>)
      %mul3A_355 = arith.constant 8 : i32
      %mul3A_356 = arith.muli %scan3A_309, %mul3A_355 : i32
      %add3A_357 = arith.constant 2 : i32
      %add3A_358 = arith.addi %mul3A_356, %add3A_357 : i32
      %add3A_359 = arith.constant 2 : i32
      %add3A_360 = arith.addi %mul3A_320, %add3A_359 : i32
      %dma_start3A_361 = arith.constant 0 : i32
      %dma_start3A_362 = arith.constant 0 : i32
      %dma_start3A_363 = tpu.memref_slice %arg7[%add3A_360, %dma_start3A_361, %dma_start3A_362] : memref<16x128x8xf32, #tpu.memory_space<vmem>> -> memref<1x128x8xf32, #tpu.memory_space<vmem>>
      %dma_start3A_364 = tpu.memref_squeeze %dma_start3A_363 : memref<1x128x8xf32, #tpu.memory_space<vmem>> -> memref<128x8xf32, #tpu.memory_space<vmem>>
      %dma_start3A_365 = arith.constant 0 : i32
      %dma_start3A_366 = tpu.memref_slice %arg5[%add3A_358, %dma_start3A_365] : memref<40x128xi32, #tpu.memory_space<vmem>> -> memref<1x128xi32, #tpu.memory_space<vmem>>
      %dma_start3A_367 = tpu.memref_squeeze %dma_start3A_366 : memref<1x128xi32, #tpu.memory_space<vmem>> -> memref<128xi32, #tpu.memory_space<vmem>>
      %dma_start3A_368 = arith.constant 0 : i32
      %dma_start3A_369 = arith.constant 0 : i32
      %dma_start3A_370 = tpu.memref_slice %arg8[%dma_start3A_368, %dma_start3A_369] : memref<10240x8xf32, #tpu.memory_space<vmem_shared>> -> memref<10240x8xf32, #tpu.memory_space<vmem_shared>>
      tpu.enqueue_indirect_dma source(%dma_start3A_370 : memref<10240x8xf32, #tpu.memory_space<vmem_shared>>) target(%dma_start3A_364 : memref<128x8xf32, #tpu.memory_space<vmem>>) offsets(%dma_start3A_367 : memref<128xi32, #tpu.memory_space<vmem>>) semaphore(%arg10 : memref<!tpu.dma_semaphore, #tpu.memory_space<semaphore_mem>>)
      %mul3A_371 = arith.constant 8 : i32
      %mul3A_372 = arith.muli %scan3A_309, %mul3A_371 : i32
      %add3A_373 = arith.constant 3 : i32
      %add3A_374 = arith.addi %mul3A_372, %add3A_373 : i32
      %add3A_375 = arith.constant 3 : i32
      %add3A_376 = arith.addi %mul3A_320, %add3A_375 : i32
      %dma_start3A_377 = arith.constant 0 : i32
      %dma_start3A_378 = arith.constant 0 : i32
      %dma_start3A_379 = tpu.memref_slice %arg7[%add3A_376, %dma_start3A_377, %dma_start3A_378] : memref<16x128x8xf32, #tpu.memory_space<vmem>> -> memref<1x128x8xf32, #tpu.memory_space<vmem>>
      %dma_start3A_380 = tpu.memref_squeeze %dma_start3A_379 : memref<1x128x8xf32, #tpu.memory_space<vmem>> -> memref<128x8xf32, #tpu.memory_space<vmem>>
      %dma_start3A_381 = arith.constant 0 : i32
      %dma_start3A_382 = tpu.memref_slice %arg5[%add3A_374, %dma_start3A_381] : memref<40x128xi32, #tpu.memory_space<vmem>> -> memref<1x128xi32, #tpu.memory_space<vmem>>
      %dma_start3A_383 = tpu.memref_squeeze %dma_start3A_382 : memref<1x128xi32, #tpu.memory_space<vmem>> -> memref<128xi32, #tpu.memory_space<vmem>>
      %dma_start3A_384 = arith.constant 0 : i32
      %dma_start3A_385 = arith.constant 0 : i32
      %dma_start3A_386 = tpu.memref_slice %arg8[%dma_start3A_384, %dma_start3A_385] : memref<10240x8xf32, #tpu.memory_space<vmem_shared>> -> memref<10240x8xf32, #tpu.memory_space<vmem_shared>>
      tpu.enqueue_indirect_dma source(%dma_start3A_386 : memref<10240x8xf32, #tpu.memory_space<vmem_shared>>) target(%dma_start3A_380 : memref<128x8xf32, #tpu.memory_space<vmem>>) offsets(%dma_start3A_383 : memref<128xi32, #tpu.memory_space<vmem>>) semaphore(%arg10 : memref<!tpu.dma_semaphore, #tpu.memory_space<semaphore_mem>>)
      %mul3A_387 = arith.constant 8 : i32
      %mul3A_388 = arith.muli %scan3A_309, %mul3A_387 : i32
      %add3A_389 = arith.constant 4 : i32
      %add3A_390 = arith.addi %mul3A_388, %add3A_389 : i32
      %add3A_391 = arith.constant 4 : i32
      %add3A_392 = arith.addi %mul3A_320, %add3A_391 : i32
      %dma_start3A_393 = arith.constant 0 : i32
      %dma_start3A_394 = arith.constant 0 : i32
      %dma_start3A_395 = tpu.memref_slice %arg7[%add3A_392, %dma_start3A_393, %dma_start3A_394] : memref<16x128x8xf32, #tpu.memory_space<vmem>> -> memref<1x128x8xf32, #tpu.memory_space<vmem>>
      %dma_start3A_396 = tpu.memref_squeeze %dma_start3A_395 : memref<1x128x8xf32, #tpu.memory_space<vmem>> -> memref<128x8xf32, #tpu.memory_space<vmem>>
      %dma_start3A_397 = arith.constant 0 : i32
      %dma_start3A_398 = tpu.memref_slice %arg5[%add3A_390, %dma_start3A_397] : memref<40x128xi32, #tpu.memory_space<vmem>> -> memref<1x128xi32, #tpu.memory_space<vmem>>
      %dma_start3A_399 = tpu.memref_squeeze %dma_start3A_398 : memref<1x128xi32, #tpu.memory_space<vmem>> -> memref<128xi32, #tpu.memory_space<vmem>>
      %dma_start3A_400 = arith.constant 0 : i32
      %dma_start3A_401 = arith.constant 0 : i32
      %dma_start3A_402 = tpu.memref_slice %arg8[%dma_start3A_400, %dma_start3A_401] : memref<10240x8xf32, #tpu.memory_space<vmem_shared>> -> memref<10240x8xf32, #tpu.memory_space<vmem_shared>>
      tpu.enqueue_indirect_dma source(%dma_start3A_402 : memref<10240x8xf32, #tpu.memory_space<vmem_shared>>) target(%dma_start3A_396 : memref<128x8xf32, #tpu.memory_space<vmem>>) offsets(%dma_start3A_399 : memref<128xi32, #tpu.memory_space<vmem>>) semaphore(%arg10 : memref<!tpu.dma_semaphore, #tpu.memory_space<semaphore_mem>>)
      %mul3A_403 = arith.constant 8 : i32
      %mul3A_404 = arith.muli %scan3A_309, %mul3A_403 : i32
      %add3A_405 = arith.constant 5 : i32
      %add3A_406 = arith.addi %mul3A_404, %add3A_405 : i32
      %add3A_407 = arith.constant 5 : i32
      %add3A_408 = arith.addi %mul3A_320, %add3A_407 : i32
      %dma_start3A_409 = arith.constant 0 : i32
      %dma_start3A_410 = arith.constant 0 : i32
      %dma_start3A_411 = tpu.memref_slice %arg7[%add3A_408, %dma_start3A_409, %dma_start3A_410] : memref<16x128x8xf32, #tpu.memory_space<vmem>> -> memref<1x128x8xf32, #tpu.memory_space<vmem>>
      %dma_start3A_412 = tpu.memref_squeeze %dma_start3A_411 : memref<1x128x8xf32, #tpu.memory_space<vmem>> -> memref<128x8xf32, #tpu.memory_space<vmem>>
      %dma_start3A_413 = arith.constant 0 : i32
      %dma_start3A_414 = tpu.memref_slice %arg5[%add3A_406, %dma_start3A_413] : memref<40x128xi32, #tpu.memory_space<vmem>> -> memref<1x128xi32, #tpu.memory_space<vmem>>
      %dma_start3A_415 = tpu.memref_squeeze %dma_start3A_414 : memref<1x128xi32, #tpu.memory_space<vmem>> -> memref<128xi32, #tpu.memory_space<vmem>>
      %dma_start3A_416 = arith.constant 0 : i32
      %dma_start3A_417 = arith.constant 0 : i32
      %dma_start3A_418 = tpu.memref_slice %arg8[%dma_start3A_416, %dma_start3A_417] : memref<10240x8xf32, #tpu.memory_space<vmem_shared>> -> memref<10240x8xf32, #tpu.memory_space<vmem_shared>>
      tpu.enqueue_indirect_dma source(%dma_start3A_418 : memref<10240x8xf32, #tpu.memory_space<vmem_shared>>) target(%dma_start3A_412 : memref<128x8xf32, #tpu.memory_space<vmem>>) offsets(%dma_start3A_415 : memref<128xi32, #tpu.memory_space<vmem>>) semaphore(%arg10 : memref<!tpu.dma_semaphore, #tpu.memory_space<semaphore_mem>>)
      %mul3A_419 = arith.constant 8 : i32
      %mul3A_420 = arith.muli %scan3A_309, %mul3A_419 : i32
      %add3A_421 = arith.constant 6 : i32
      %add3A_422 = arith.addi %mul3A_420, %add3A_421 : i32
      %add3A_423 = arith.constant 6 : i32
      %add3A_424 = arith.addi %mul3A_320, %add3A_423 : i32
      %dma_start3A_425 = arith.constant 0 : i32
      %dma_start3A_426 = arith.constant 0 : i32
      %dma_start3A_427 = tpu.memref_slice %arg7[%add3A_424, %dma_start3A_425, %dma_start3A_426] : memref<16x128x8xf32, #tpu.memory_space<vmem>> -> memref<1x128x8xf32, #tpu.memory_space<vmem>>
      %dma_start3A_428 = tpu.memref_squeeze %dma_start3A_427 : memref<1x128x8xf32, #tpu.memory_space<vmem>> -> memref<128x8xf32, #tpu.memory_space<vmem>>
      %dma_start3A_429 = arith.constant 0 : i32
      %dma_start3A_430 = tpu.memref_slice %arg5[%add3A_422, %dma_start3A_429] : memref<40x128xi32, #tpu.memory_space<vmem>> -> memref<1x128xi32, #tpu.memory_space<vmem>>
      %dma_start3A_431 = tpu.memref_squeeze %dma_start3A_430 : memref<1x128xi32, #tpu.memory_space<vmem>> -> memref<128xi32, #tpu.memory_space<vmem>>
      %dma_start3A_432 = arith.constant 0 : i32
      %dma_start3A_433 = arith.constant 0 : i32
      %dma_start3A_434 = tpu.memref_slice %arg8[%dma_start3A_432, %dma_start3A_433] : memref<10240x8xf32, #tpu.memory_space<vmem_shared>> -> memref<10240x8xf32, #tpu.memory_space<vmem_shared>>
      tpu.enqueue_indirect_dma source(%dma_start3A_434 : memref<10240x8xf32, #tpu.memory_space<vmem_shared>>) target(%dma_start3A_428 : memref<128x8xf32, #tpu.memory_space<vmem>>) offsets(%dma_start3A_431 : memref<128xi32, #tpu.memory_space<vmem>>) semaphore(%arg10 : memref<!tpu.dma_semaphore, #tpu.memory_space<semaphore_mem>>)
      %mul3A_435 = arith.constant 8 : i32
      %mul3A_436 = arith.muli %scan3A_309, %mul3A_435 : i32
      %add3A_437 = arith.constant 7 : i32
      %add3A_438 = arith.addi %mul3A_436, %add3A_437 : i32
      %add3A_439 = arith.constant 7 : i32
      %add3A_440 = arith.addi %mul3A_320, %add3A_439 : i32
      %dma_start3A_441 = arith.constant 0 : i32
      %dma_start3A_442 = arith.constant 0 : i32
      %dma_start3A_443 = tpu.memref_slice %arg7[%add3A_440, %dma_start3A_441, %dma_start3A_442] : memref<16x128x8xf32, #tpu.memory_space<vmem>> -> memref<1x128x8xf32, #tpu.memory_space<vmem>>
      %dma_start3A_444 = tpu.memref_squeeze %dma_start3A_443 : memref<1x128x8xf32, #tpu.memory_space<vmem>> -> memref<128x8xf32, #tpu.memory_space<vmem>>
      %dma_start3A_445 = arith.constant 0 : i32
      %dma_start3A_446 = tpu.memref_slice %arg5[%add3A_438, %dma_start3A_445] : memref<40x128xi32, #tpu.memory_space<vmem>> -> memref<1x128xi32, #tpu.memory_space<vmem>>
      %dma_start3A_447 = tpu.memref_squeeze %dma_start3A_446 : memref<1x128xi32, #tpu.memory_space<vmem>> -> memref<128xi32, #tpu.memory_space<vmem>>
      %dma_start3A_448 = arith.constant 0 : i32
      %dma_start3A_449 = arith.constant 0 : i32
      %dma_start3A_450 = tpu.memref_slice %arg8[%dma_start3A_448, %dma_start3A_449] : memref<10240x8xf32, #tpu.memory_space<vmem_shared>> -> memref<10240x8xf32, #tpu.memory_space<vmem_shared>>
      tpu.enqueue_indirect_dma source(%dma_start3A_450 : memref<10240x8xf32, #tpu.memory_space<vmem_shared>>) target(%dma_start3A_444 : memref<128x8xf32, #tpu.memory_space<vmem>>) offsets(%dma_start3A_447 : memref<128xi32, #tpu.memory_space<vmem>>) semaphore(%arg10 : memref<!tpu.dma_semaphore, #tpu.memory_space<semaphore_mem>>)
      %dma_wait3A_451 = arith.constant 0 : i32
      %dma_wait3A_452 = arith.constant 0 : i32
      %dma_wait3A_453 = tpu.memref_slice %arg7[%add3A_328, %dma_wait3A_451, %dma_wait3A_452] : memref<16x128x8xf32, #tpu.memory_space<vmem>> -> memref<1x128x8xf32, #tpu.memory_space<vmem>>
      %dma_wait3A_454 = tpu.memref_squeeze %dma_wait3A_453 : memref<1x128x8xf32, #tpu.memory_space<vmem>> -> memref<128x8xf32, #tpu.memory_space<vmem>>
      %dma_wait3A_455 = arith.constant 0 : i32
      %dma_wait3A_456 = tpu.memref_slice %arg5[%add3A_326, %dma_wait3A_455] : memref<40x128xi32, #tpu.memory_space<vmem>> -> memref<1x128xi32, #tpu.memory_space<vmem>>
      %dma_wait3A_457 = tpu.memref_squeeze %dma_wait3A_456 : memref<1x128xi32, #tpu.memory_space<vmem>> -> memref<128xi32, #tpu.memory_space<vmem>>
      %dma_wait3A_458 = arith.constant 0 : i32
      %dma_wait3A_459 = arith.constant 0 : i32
      %dma_wait3A_460 = tpu.memref_slice %arg8[%dma_wait3A_458, %dma_wait3A_459] : memref<10240x8xf32, #tpu.memory_space<vmem_shared>> -> memref<10240x8xf32, #tpu.memory_space<vmem_shared>>
      tpu.wait_indirect_dma semaphore(%arg10 : memref<!tpu.dma_semaphore, #tpu.memory_space<semaphore_mem>>) src(%dma_wait3A_460 : memref<10240x8xf32, #tpu.memory_space<vmem_shared>>) dst(%dma_wait3A_454 : memref<128x8xf32, #tpu.memory_space<vmem>>)
      %add3A_461 = arith.constant 0 : i32
      %add3A_462 = arith.addi %mul3A_320, %add3A_461 : i32
      %mul3A_463 = arith.constant 8 : i32
      %mul3A_464 = arith.muli %scan3A_309, %mul3A_463 : i32
      %add3A_465 = arith.constant 0 : i32
      %add3A_466 = arith.addi %mul3A_464, %add3A_465 : i32
      %dma_start3A_467 = arith.constant 0 : i32
      %dma_start3A_468 = arith.constant 0 : i32
      %dma_start3A_469 = tpu.memref_slice %arg7[%add3A_462, %dma_start3A_467, %dma_start3A_468] : memref<16x128x8xf32, #tpu.memory_space<vmem>> -> memref<1x128x8xf32, #tpu.memory_space<vmem>>
      %dma_start3A_470 = tpu.memref_squeeze %dma_start3A_469 : memref<1x128x8xf32, #tpu.memory_space<vmem>> -> memref<128x8xf32, #tpu.memory_space<vmem>>
      %dma_start3A_471 = arith.constant 0 : i32
      %dma_start3A_472 = tpu.memref_slice %arg6[%add3A_466, %dma_start3A_471] : memref<40x128xi32, #tpu.memory_space<vmem>> -> memref<1x128xi32, #tpu.memory_space<vmem>>
      %dma_start3A_473 = tpu.memref_squeeze %dma_start3A_472 : memref<1x128xi32, #tpu.memory_space<vmem>> -> memref<128xi32, #tpu.memory_space<vmem>>
      %dma_start3A_474 = arith.constant 0 : i32
      %dma_start3A_475 = arith.constant 0 : i32
      %dma_start3A_476 = tpu.memref_slice %arg9[%dma_start3A_474, %dma_start3A_475] : memref<10240x8xf32, #tpu.memory_space<vmem_shared>> -> memref<10240x8xf32, #tpu.memory_space<vmem_shared>>
      tpu.enqueue_indirect_dma source(%dma_start3A_470 : memref<128x8xf32, #tpu.memory_space<vmem>>) target(%dma_start3A_476 : memref<10240x8xf32, #tpu.memory_space<vmem_shared>>) offsets(%dma_start3A_473 : memref<128xi32, #tpu.memory_space<vmem>>) semaphore(%arg11 : memref<!tpu.dma_semaphore, #tpu.memory_space<semaphore_mem>>) {add = true}
      %dma_wait3A_477 = arith.constant 0 : i32
      %dma_wait3A_478 = arith.constant 0 : i32
      %dma_wait3A_479 = tpu.memref_slice %arg7[%add3A_344, %dma_wait3A_477, %dma_wait3A_478] : memref<16x128x8xf32, #tpu.memory_space<vmem>> -> memref<1x128x8xf32, #tpu.memory_space<vmem>>
      %dma_wait3A_480 = tpu.memref_squeeze %dma_wait3A_479 : memref<1x128x8xf32, #tpu.memory_space<vmem>> -> memref<128x8xf32, #tpu.memory_space<vmem>>
      %dma_wait3A_481 = arith.constant 0 : i32
      %dma_wait3A_482 = tpu.memref_slice %arg5[%add3A_342, %dma_wait3A_481] : memref<40x128xi32, #tpu.memory_space<vmem>> -> memref<1x128xi32, #tpu.memory_space<vmem>>
      %dma_wait3A_483 = tpu.memref_squeeze %dma_wait3A_482 : memref<1x128xi32, #tpu.memory_space<vmem>> -> memref<128xi32, #tpu.memory_space<vmem>>
      %dma_wait3A_484 = arith.constant 0 : i32
      %dma_wait3A_485 = arith.constant 0 : i32
      %dma_wait3A_486 = tpu.memref_slice %arg8[%dma_wait3A_484, %dma_wait3A_485] : memref<10240x8xf32, #tpu.memory_space<vmem_shared>> -> memref<10240x8xf32, #tpu.memory_space<vmem_shared>>
      tpu.wait_indirect_dma semaphore(%arg10 : memref<!tpu.dma_semaphore, #tpu.memory_space<semaphore_mem>>) src(%dma_wait3A_486 : memref<10240x8xf32, #tpu.memory_space<vmem_shared>>) dst(%dma_wait3A_480 : memref<128x8xf32, #tpu.memory_space<vmem>>)
      %add3A_487 = arith.constant 1 : i32
      %add3A_488 = arith.addi %mul3A_320, %add3A_487 : i32
      %mul3A_489 = arith.constant 8 : i32
      %mul3A_490 = arith.muli %scan3A_309, %mul3A_489 : i32
      %add3A_491 = arith.constant 1 : i32
      %add3A_492 = arith.addi %mul3A_490, %add3A_491 : i32
      %dma_start3A_493 = arith.constant 0 : i32
      %dma_start3A_494 = arith.constant 0 : i32
      %dma_start3A_495 = tpu.memref_slice %arg7[%add3A_488, %dma_start3A_493, %dma_start3A_494] : memref<16x128x8xf32, #tpu.memory_space<vmem>> -> memref<1x128x8xf32, #tpu.memory_space<vmem>>
      %dma_start3A_496 = tpu.memref_squeeze %dma_start3A_495 : memref<1x128x8xf32, #tpu.memory_space<vmem>> -> memref<128x8xf32, #tpu.memory_space<vmem>>
      %dma_start3A_497 = arith.constant 0 : i32
      %dma_start3A_498 = tpu.memref_slice %arg6[%add3A_492, %dma_start3A_497] : memref<40x128xi32, #tpu.memory_space<vmem>> -> memref<1x128xi32, #tpu.memory_space<vmem>>
      %dma_start3A_499 = tpu.memref_squeeze %dma_start3A_498 : memref<1x128xi32, #tpu.memory_space<vmem>> -> memref<128xi32, #tpu.memory_space<vmem>>
      %dma_start3A_500 = arith.constant 0 : i32
      %dma_start3A_501 = arith.constant 0 : i32
      %dma_start3A_502 = tpu.memref_slice %arg9[%dma_start3A_500, %dma_start3A_501] : memref<10240x8xf32, #tpu.memory_space<vmem_shared>> -> memref<10240x8xf32, #tpu.memory_space<vmem_shared>>
      tpu.enqueue_indirect_dma source(%dma_start3A_496 : memref<128x8xf32, #tpu.memory_space<vmem>>) target(%dma_start3A_502 : memref<10240x8xf32, #tpu.memory_space<vmem_shared>>) offsets(%dma_start3A_499 : memref<128xi32, #tpu.memory_space<vmem>>) semaphore(%arg11 : memref<!tpu.dma_semaphore, #tpu.memory_space<semaphore_mem>>) {add = true}
      %dma_wait3A_503 = arith.constant 0 : i32
      %dma_wait3A_504 = arith.constant 0 : i32
      %dma_wait3A_505 = tpu.memref_slice %arg7[%add3A_360, %dma_wait3A_503, %dma_wait3A_504] : memref<16x128x8xf32, #tpu.memory_space<vmem>> -> memref<1x128x8xf32, #tpu.memory_space<vmem>>
      %dma_wait3A_506 = tpu.memref_squeeze %dma_wait3A_505 : memref<1x128x8xf32, #tpu.memory_space<vmem>> -> memref<128x8xf32, #tpu.memory_space<vmem>>
      %dma_wait3A_507 = arith.constant 0 : i32
      %dma_wait3A_508 = tpu.memref_slice %arg5[%add3A_358, %dma_wait3A_507] : memref<40x128xi32, #tpu.memory_space<vmem>> -> memref<1x128xi32, #tpu.memory_space<vmem>>
      %dma_wait3A_509 = tpu.memref_squeeze %dma_wait3A_508 : memref<1x128xi32, #tpu.memory_space<vmem>> -> memref<128xi32, #tpu.memory_space<vmem>>
      %dma_wait3A_510 = arith.constant 0 : i32
      %dma_wait3A_511 = arith.constant 0 : i32
      %dma_wait3A_512 = tpu.memref_slice %arg8[%dma_wait3A_510, %dma_wait3A_511] : memref<10240x8xf32, #tpu.memory_space<vmem_shared>> -> memref<10240x8xf32, #tpu.memory_space<vmem_shared>>
      tpu.wait_indirect_dma semaphore(%arg10 : memref<!tpu.dma_semaphore, #tpu.memory_space<semaphore_mem>>) src(%dma_wait3A_512 : memref<10240x8xf32, #tpu.memory_space<vmem_shared>>) dst(%dma_wait3A_506 : memref<128x8xf32, #tpu.memory_space<vmem>>)
      %add3A_513 = arith.constant 2 : i32
      %add3A_514 = arith.addi %mul3A_320, %add3A_513 : i32
      %mul3A_515 = arith.constant 8 : i32
      %mul3A_516 = arith.muli %scan3A_309, %mul3A_515 : i32
      %add3A_517 = arith.constant 2 : i32
      %add3A_518 = arith.addi %mul3A_516, %add3A_517 : i32
      %dma_start3A_519 = arith.constant 0 : i32
      %dma_start3A_520 = arith.constant 0 : i32
      %dma_start3A_521 = tpu.memref_slice %arg7[%add3A_514, %dma_start3A_519, %dma_start3A_520] : memref<16x128x8xf32, #tpu.memory_space<vmem>> -> memref<1x128x8xf32, #tpu.memory_space<vmem>>
      %dma_start3A_522 = tpu.memref_squeeze %dma_start3A_521 : memref<1x128x8xf32, #tpu.memory_space<vmem>> -> memref<128x8xf32, #tpu.memory_space<vmem>>
      %dma_start3A_523 = arith.constant 0 : i32
      %dma_start3A_524 = tpu.memref_slice %arg6[%add3A_518, %dma_start3A_523] : memref<40x128xi32, #tpu.memory_space<vmem>> -> memref<1x128xi32, #tpu.memory_space<vmem>>
      %dma_start3A_525 = tpu.memref_squeeze %dma_start3A_524 : memref<1x128xi32, #tpu.memory_space<vmem>> -> memref<128xi32, #tpu.memory_space<vmem>>
      %dma_start3A_526 = arith.constant 0 : i32
      %dma_start3A_527 = arith.constant 0 : i32
      %dma_start3A_528 = tpu.memref_slice %arg9[%dma_start3A_526, %dma_start3A_527] : memref<10240x8xf32, #tpu.memory_space<vmem_shared>> -> memref<10240x8xf32, #tpu.memory_space<vmem_shared>>
      tpu.enqueue_indirect_dma source(%dma_start3A_522 : memref<128x8xf32, #tpu.memory_space<vmem>>) target(%dma_start3A_528 : memref<10240x8xf32, #tpu.memory_space<vmem_shared>>) offsets(%dma_start3A_525 : memref<128xi32, #tpu.memory_space<vmem>>) semaphore(%arg11 : memref<!tpu.dma_semaphore, #tpu.memory_space<semaphore_mem>>) {add = true}
      %dma_wait3A_529 = arith.constant 0 : i32
      %dma_wait3A_530 = arith.constant 0 : i32
      %dma_wait3A_531 = tpu.memref_slice %arg7[%add3A_376, %dma_wait3A_529, %dma_wait3A_530] : memref<16x128x8xf32, #tpu.memory_space<vmem>> -> memref<1x128x8xf32, #tpu.memory_space<vmem>>
      %dma_wait3A_532 = tpu.memref_squeeze %dma_wait3A_531 : memref<1x128x8xf32, #tpu.memory_space<vmem>> -> memref<128x8xf32, #tpu.memory_space<vmem>>
      %dma_wait3A_533 = arith.constant 0 : i32
      %dma_wait3A_534 = tpu.memref_slice %arg5[%add3A_374, %dma_wait3A_533] : memref<40x128xi32, #tpu.memory_space<vmem>> -> memref<1x128xi32, #tpu.memory_space<vmem>>
      %dma_wait3A_535 = tpu.memref_squeeze %dma_wait3A_534 : memref<1x128xi32, #tpu.memory_space<vmem>> -> memref<128xi32, #tpu.memory_space<vmem>>
      %dma_wait3A_536 = arith.constant 0 : i32
      %dma_wait3A_537 = arith.constant 0 : i32
      %dma_wait3A_538 = tpu.memref_slice %arg8[%dma_wait3A_536, %dma_wait3A_537] : memref<10240x8xf32, #tpu.memory_space<vmem_shared>> -> memref<10240x8xf32, #tpu.memory_space<vmem_shared>>
      tpu.wait_indirect_dma semaphore(%arg10 : memref<!tpu.dma_semaphore, #tpu.memory_space<semaphore_mem>>) src(%dma_wait3A_538 : memref<10240x8xf32, #tpu.memory_space<vmem_shared>>) dst(%dma_wait3A_532 : memref<128x8xf32, #tpu.memory_space<vmem>>)
      %add3A_539 = arith.constant 3 : i32
      %add3A_540 = arith.addi %mul3A_320, %add3A_539 : i32
      %mul3A_541 = arith.constant 8 : i32
      %mul3A_542 = arith.muli %scan3A_309, %mul3A_541 : i32
      %add3A_543 = arith.constant 3 : i32
      %add3A_544 = arith.addi %mul3A_542, %add3A_543 : i32
      %dma_start3A_545 = arith.constant 0 : i32
      %dma_start3A_546 = arith.constant 0 : i32
      %dma_start3A_547 = tpu.memref_slice %arg7[%add3A_540, %dma_start3A_545, %dma_start3A_546] : memref<16x128x8xf32, #tpu.memory_space<vmem>> -> memref<1x128x8xf32, #tpu.memory_space<vmem>>
      %dma_start3A_548 = tpu.memref_squeeze %dma_start3A_547 : memref<1x128x8xf32, #tpu.memory_space<vmem>> -> memref<128x8xf32, #tpu.memory_space<vmem>>
      %dma_start3A_549 = arith.constant 0 : i32
      %dma_start3A_550 = tpu.memref_slice %arg6[%add3A_544, %dma_start3A_549] : memref<40x128xi32, #tpu.memory_space<vmem>> -> memref<1x128xi32, #tpu.memory_space<vmem>>
      %dma_start3A_551 = tpu.memref_squeeze %dma_start3A_550 : memref<1x128xi32, #tpu.memory_space<vmem>> -> memref<128xi32, #tpu.memory_space<vmem>>
      %dma_start3A_552 = arith.constant 0 : i32
      %dma_start3A_553 = arith.constant 0 : i32
      %dma_start3A_554 = tpu.memref_slice %arg9[%dma_start3A_552, %dma_start3A_553] : memref<10240x8xf32, #tpu.memory_space<vmem_shared>> -> memref<10240x8xf32, #tpu.memory_space<vmem_shared>>
      tpu.enqueue_indirect_dma source(%dma_start3A_548 : memref<128x8xf32, #tpu.memory_space<vmem>>) target(%dma_start3A_554 : memref<10240x8xf32, #tpu.memory_space<vmem_shared>>) offsets(%dma_start3A_551 : memref<128xi32, #tpu.memory_space<vmem>>) semaphore(%arg11 : memref<!tpu.dma_semaphore, #tpu.memory_space<semaphore_mem>>) {add = true}
      %dma_wait3A_555 = arith.constant 0 : i32
      %dma_wait3A_556 = arith.constant 0 : i32
      %dma_wait3A_557 = tpu.memref_slice %arg7[%add3A_392, %dma_wait3A_555, %dma_wait3A_556] : memref<16x128x8xf32, #tpu.memory_space<vmem>> -> memref<1x128x8xf32, #tpu.memory_space<vmem>>
      %dma_wait3A_558 = tpu.memref_squeeze %dma_wait3A_557 : memref<1x128x8xf32, #tpu.memory_space<vmem>> -> memref<128x8xf32, #tpu.memory_space<vmem>>
      %dma_wait3A_559 = arith.constant 0 : i32
      %dma_wait3A_560 = tpu.memref_slice %arg5[%add3A_390, %dma_wait3A_559] : memref<40x128xi32, #tpu.memory_space<vmem>> -> memref<1x128xi32, #tpu.memory_space<vmem>>
      %dma_wait3A_561 = tpu.memref_squeeze %dma_wait3A_560 : memref<1x128xi32, #tpu.memory_space<vmem>> -> memref<128xi32, #tpu.memory_space<vmem>>
      %dma_wait3A_562 = arith.constant 0 : i32
      %dma_wait3A_563 = arith.constant 0 : i32
      %dma_wait3A_564 = tpu.memref_slice %arg8[%dma_wait3A_562, %dma_wait3A_563] : memref<10240x8xf32, #tpu.memory_space<vmem_shared>> -> memref<10240x8xf32, #tpu.memory_space<vmem_shared>>
      tpu.wait_indirect_dma semaphore(%arg10 : memref<!tpu.dma_semaphore, #tpu.memory_space<semaphore_mem>>) src(%dma_wait3A_564 : memref<10240x8xf32, #tpu.memory_space<vmem_shared>>) dst(%dma_wait3A_558 : memref<128x8xf32, #tpu.memory_space<vmem>>)
      %add3A_565 = arith.constant 4 : i32
      %add3A_566 = arith.addi %mul3A_320, %add3A_565 : i32
      %mul3A_567 = arith.constant 8 : i32
      %mul3A_568 = arith.muli %scan3A_309, %mul3A_567 : i32
      %add3A_569 = arith.constant 4 : i32
      %add3A_570 = arith.addi %mul3A_568, %add3A_569 : i32
      %dma_start3A_571 = arith.constant 0 : i32
      %dma_start3A_572 = arith.constant 0 : i32
      %dma_start3A_573 = tpu.memref_slice %arg7[%add3A_566, %dma_start3A_571, %dma_start3A_572] : memref<16x128x8xf32, #tpu.memory_space<vmem>> -> memref<1x128x8xf32, #tpu.memory_space<vmem>>
      %dma_start3A_574 = tpu.memref_squeeze %dma_start3A_573 : memref<1x128x8xf32, #tpu.memory_space<vmem>> -> memref<128x8xf32, #tpu.memory_space<vmem>>
      %dma_start3A_575 = arith.constant 0 : i32
      %dma_start3A_576 = tpu.memref_slice %arg6[%add3A_570, %dma_start3A_575] : memref<40x128xi32, #tpu.memory_space<vmem>> -> memref<1x128xi32, #tpu.memory_space<vmem>>
      %dma_start3A_577 = tpu.memref_squeeze %dma_start3A_576 : memref<1x128xi32, #tpu.memory_space<vmem>> -> memref<128xi32, #tpu.memory_space<vmem>>
      %dma_start3A_578 = arith.constant 0 : i32
      %dma_start3A_579 = arith.constant 0 : i32
      %dma_start3A_580 = tpu.memref_slice %arg9[%dma_start3A_578, %dma_start3A_579] : memref<10240x8xf32, #tpu.memory_space<vmem_shared>> -> memref<10240x8xf32, #tpu.memory_space<vmem_shared>>
      tpu.enqueue_indirect_dma source(%dma_start3A_574 : memref<128x8xf32, #tpu.memory_space<vmem>>) target(%dma_start3A_580 : memref<10240x8xf32, #tpu.memory_space<vmem_shared>>) offsets(%dma_start3A_577 : memref<128xi32, #tpu.memory_space<vmem>>) semaphore(%arg11 : memref<!tpu.dma_semaphore, #tpu.memory_space<semaphore_mem>>) {add = true}
      %dma_wait3A_581 = arith.constant 0 : i32
      %dma_wait3A_582 = arith.constant 0 : i32
      %dma_wait3A_583 = tpu.memref_slice %arg7[%add3A_408, %dma_wait3A_581, %dma_wait3A_582] : memref<16x128x8xf32, #tpu.memory_space<vmem>> -> memref<1x128x8xf32, #tpu.memory_space<vmem>>
      %dma_wait3A_584 = tpu.memref_squeeze %dma_wait3A_583 : memref<1x128x8xf32, #tpu.memory_space<vmem>> -> memref<128x8xf32, #tpu.memory_space<vmem>>
      %dma_wait3A_585 = arith.constant 0 : i32
      %dma_wait3A_586 = tpu.memref_slice %arg5[%add3A_406, %dma_wait3A_585] : memref<40x128xi32, #tpu.memory_space<vmem>> -> memref<1x128xi32, #tpu.memory_space<vmem>>
      %dma_wait3A_587 = tpu.memref_squeeze %dma_wait3A_586 : memref<1x128xi32, #tpu.memory_space<vmem>> -> memref<128xi32, #tpu.memory_space<vmem>>
      %dma_wait3A_588 = arith.constant 0 : i32
      %dma_wait3A_589 = arith.constant 0 : i32
      %dma_wait3A_590 = tpu.memref_slice %arg8[%dma_wait3A_588, %dma_wait3A_589] : memref<10240x8xf32, #tpu.memory_space<vmem_shared>> -> memref<10240x8xf32, #tpu.memory_space<vmem_shared>>
      tpu.wait_indirect_dma semaphore(%arg10 : memref<!tpu.dma_semaphore, #tpu.memory_space<semaphore_mem>>) src(%dma_wait3A_590 : memref<10240x8xf32, #tpu.memory_space<vmem_shared>>) dst(%dma_wait3A_584 : memref<128x8xf32, #tpu.memory_space<vmem>>)
      %add3A_591 = arith.constant 5 : i32
      %add3A_592 = arith.addi %mul3A_320, %add3A_591 : i32
      %mul3A_593 = arith.constant 8 : i32
      %mul3A_594 = arith.muli %scan3A_309, %mul3A_593 : i32
      %add3A_595 = arith.constant 5 : i32
      %add3A_596 = arith.addi %mul3A_594, %add3A_595 : i32
      %dma_start3A_597 = arith.constant 0 : i32
      %dma_start3A_598 = arith.constant 0 : i32
      %dma_start3A_599 = tpu.memref_slice %arg7[%add3A_592, %dma_start3A_597, %dma_start3A_598] : memref<16x128x8xf32, #tpu.memory_space<vmem>> -> memref<1x128x8xf32, #tpu.memory_space<vmem>>
      %dma_start3A_600 = tpu.memref_squeeze %dma_start3A_599 : memref<1x128x8xf32, #tpu.memory_space<vmem>> -> memref<128x8xf32, #tpu.memory_space<vmem>>
      %dma_start3A_601 = arith.constant 0 : i32
      %dma_start3A_602 = tpu.memref_slice %arg6[%add3A_596, %dma_start3A_601] : memref<40x128xi32, #tpu.memory_space<vmem>> -> memref<1x128xi32, #tpu.memory_space<vmem>>
      %dma_start3A_603 = tpu.memref_squeeze %dma_start3A_602 : memref<1x128xi32, #tpu.memory_space<vmem>> -> memref<128xi32, #tpu.memory_space<vmem>>
      %dma_start3A_604 = arith.constant 0 : i32
      %dma_start3A_605 = arith.constant 0 : i32
      %dma_start3A_606 = tpu.memref_slice %arg9[%dma_start3A_604, %dma_start3A_605] : memref<10240x8xf32, #tpu.memory_space<vmem_shared>> -> memref<10240x8xf32, #tpu.memory_space<vmem_shared>>
      tpu.enqueue_indirect_dma source(%dma_start3A_600 : memref<128x8xf32, #tpu.memory_space<vmem>>) target(%dma_start3A_606 : memref<10240x8xf32, #tpu.memory_space<vmem_shared>>) offsets(%dma_start3A_603 : memref<128xi32, #tpu.memory_space<vmem>>) semaphore(%arg11 : memref<!tpu.dma_semaphore, #tpu.memory_space<semaphore_mem>>) {add = true}
      %dma_wait3A_607 = arith.constant 0 : i32
      %dma_wait3A_608 = arith.constant 0 : i32
      %dma_wait3A_609 = tpu.memref_slice %arg7[%add3A_424, %dma_wait3A_607, %dma_wait3A_608] : memref<16x128x8xf32, #tpu.memory_space<vmem>> -> memref<1x128x8xf32, #tpu.memory_space<vmem>>
      %dma_wait3A_610 = tpu.memref_squeeze %dma_wait3A_609 : memref<1x128x8xf32, #tpu.memory_space<vmem>> -> memref<128x8xf32, #tpu.memory_space<vmem>>
      %dma_wait3A_611 = arith.constant 0 : i32
      %dma_wait3A_612 = tpu.memref_slice %arg5[%add3A_422, %dma_wait3A_611] : memref<40x128xi32, #tpu.memory_space<vmem>> -> memref<1x128xi32, #tpu.memory_space<vmem>>
      %dma_wait3A_613 = tpu.memref_squeeze %dma_wait3A_612 : memref<1x128xi32, #tpu.memory_space<vmem>> -> memref<128xi32, #tpu.memory_space<vmem>>
      %dma_wait3A_614 = arith.constant 0 : i32
      %dma_wait3A_615 = arith.constant 0 : i32
      %dma_wait3A_616 = tpu.memref_slice %arg8[%dma_wait3A_614, %dma_wait3A_615] : memref<10240x8xf32, #tpu.memory_space<vmem_shared>> -> memref<10240x8xf32, #tpu.memory_space<vmem_shared>>
      tpu.wait_indirect_dma semaphore(%arg10 : memref<!tpu.dma_semaphore, #tpu.memory_space<semaphore_mem>>) src(%dma_wait3A_616 : memref<10240x8xf32, #tpu.memory_space<vmem_shared>>) dst(%dma_wait3A_610 : memref<128x8xf32, #tpu.memory_space<vmem>>)
      %add3A_617 = arith.constant 6 : i32
      %add3A_618 = arith.addi %mul3A_320, %add3A_617 : i32
      %mul3A_619 = arith.constant 8 : i32
      %mul3A_620 = arith.muli %scan3A_309, %mul3A_619 : i32
      %add3A_621 = arith.constant 6 : i32
      %add3A_622 = arith.addi %mul3A_620, %add3A_621 : i32
      %dma_start3A_623 = arith.constant 0 : i32
      %dma_start3A_624 = arith.constant 0 : i32
      %dma_start3A_625 = tpu.memref_slice %arg7[%add3A_618, %dma_start3A_623, %dma_start3A_624] : memref<16x128x8xf32, #tpu.memory_space<vmem>> -> memref<1x128x8xf32, #tpu.memory_space<vmem>>
      %dma_start3A_626 = tpu.memref_squeeze %dma_start3A_625 : memref<1x128x8xf32, #tpu.memory_space<vmem>> -> memref<128x8xf32, #tpu.memory_space<vmem>>
      %dma_start3A_627 = arith.constant 0 : i32
      %dma_start3A_628 = tpu.memref_slice %arg6[%add3A_622, %dma_start3A_627] : memref<40x128xi32, #tpu.memory_space<vmem>> -> memref<1x128xi32, #tpu.memory_space<vmem>>
      %dma_start3A_629 = tpu.memref_squeeze %dma_start3A_628 : memref<1x128xi32, #tpu.memory_space<vmem>> -> memref<128xi32, #tpu.memory_space<vmem>>
      %dma_start3A_630 = arith.constant 0 : i32
      %dma_start3A_631 = arith.constant 0 : i32
      %dma_start3A_632 = tpu.memref_slice %arg9[%dma_start3A_630, %dma_start3A_631] : memref<10240x8xf32, #tpu.memory_space<vmem_shared>> -> memref<10240x8xf32, #tpu.memory_space<vmem_shared>>
      tpu.enqueue_indirect_dma source(%dma_start3A_626 : memref<128x8xf32, #tpu.memory_space<vmem>>) target(%dma_start3A_632 : memref<10240x8xf32, #tpu.memory_space<vmem_shared>>) offsets(%dma_start3A_629 : memref<128xi32, #tpu.memory_space<vmem>>) semaphore(%arg11 : memref<!tpu.dma_semaphore, #tpu.memory_space<semaphore_mem>>) {add = true}
      %dma_wait3A_633 = arith.constant 0 : i32
      %dma_wait3A_634 = arith.constant 0 : i32
      %dma_wait3A_635 = tpu.memref_slice %arg7[%add3A_440, %dma_wait3A_633, %dma_wait3A_634] : memref<16x128x8xf32, #tpu.memory_space<vmem>> -> memref<1x128x8xf32, #tpu.memory_space<vmem>>
      %dma_wait3A_636 = tpu.memref_squeeze %dma_wait3A_635 : memref<1x128x8xf32, #tpu.memory_space<vmem>> -> memref<128x8xf32, #tpu.memory_space<vmem>>
      %dma_wait3A_637 = arith.constant 0 : i32
      %dma_wait3A_638 = tpu.memref_slice %arg5[%add3A_438, %dma_wait3A_637] : memref<40x128xi32, #tpu.memory_space<vmem>> -> memref<1x128xi32, #tpu.memory_space<vmem>>
      %dma_wait3A_639 = tpu.memref_squeeze %dma_wait3A_638 : memref<1x128xi32, #tpu.memory_space<vmem>> -> memref<128xi32, #tpu.memory_space<vmem>>
      %dma_wait3A_640 = arith.constant 0 : i32
      %dma_wait3A_641 = arith.constant 0 : i32
      %dma_wait3A_642 = tpu.memref_slice %arg8[%dma_wait3A_640, %dma_wait3A_641] : memref<10240x8xf32, #tpu.memory_space<vmem_shared>> -> memref<10240x8xf32, #tpu.memory_space<vmem_shared>>
      tpu.wait_indirect_dma semaphore(%arg10 : memref<!tpu.dma_semaphore, #tpu.memory_space<semaphore_mem>>) src(%dma_wait3A_642 : memref<10240x8xf32, #tpu.memory_space<vmem_shared>>) dst(%dma_wait3A_636 : memref<128x8xf32, #tpu.memory_space<vmem>>)
      %add3A_643 = arith.constant 7 : i32
      %add3A_644 = arith.addi %mul3A_320, %add3A_643 : i32
      %mul3A_645 = arith.constant 8 : i32
      %mul3A_646 = arith.muli %scan3A_309, %mul3A_645 : i32
      %add3A_647 = arith.constant 7 : i32
      %add3A_648 = arith.addi %mul3A_646, %add3A_647 : i32
      %dma_start3A_649 = arith.constant 0 : i32
      %dma_start3A_650 = arith.constant 0 : i32
      %dma_start3A_651 = tpu.memref_slice %arg7[%add3A_644, %dma_start3A_649, %dma_start3A_650] : memref<16x128x8xf32, #tpu.memory_space<vmem>> -> memref<1x128x8xf32, #tpu.memory_space<vmem>>
      %dma_start3A_652 = tpu.memref_squeeze %dma_start3A_651 : memref<1x128x8xf32, #tpu.memory_space<vmem>> -> memref<128x8xf32, #tpu.memory_space<vmem>>
      %dma_start3A_653 = arith.constant 0 : i32
      %dma_start3A_654 = tpu.memref_slice %arg6[%add3A_648, %dma_start3A_653] : memref<40x128xi32, #tpu.memory_space<vmem>> -> memref<1x128xi32, #tpu.memory_space<vmem>>
      %dma_start3A_655 = tpu.memref_squeeze %dma_start3A_654 : memref<1x128xi32, #tpu.memory_space<vmem>> -> memref<128xi32, #tpu.memory_space<vmem>>
      %dma_start3A_656 = arith.constant 0 : i32
      %dma_start3A_657 = arith.constant 0 : i32
      %dma_start3A_658 = tpu.memref_slice %arg9[%dma_start3A_656, %dma_start3A_657] : memref<10240x8xf32, #tpu.memory_space<vmem_shared>> -> memref<10240x8xf32, #tpu.memory_space<vmem_shared>>
      tpu.enqueue_indirect_dma source(%dma_start3A_652 : memref<128x8xf32, #tpu.memory_space<vmem>>) target(%dma_start3A_658 : memref<10240x8xf32, #tpu.memory_space<vmem_shared>>) offsets(%dma_start3A_655 : memref<128xi32, #tpu.memory_space<vmem>>) semaphore(%arg11 : memref<!tpu.dma_semaphore, #tpu.memory_space<semaphore_mem>>) {add = true}
    }
    %scan3A_63 = arith.constant 5 : i32
    %dma_wait3A_64 = arith.constant 0 : i32
    %dma_wait3A_65 = arith.constant 0 : i32
    %dma_wait3A_66 = arith.constant 0 : i32
    %dma_wait3A_67 = tpu.memref_slice %arg7[%dma_wait3A_64, %dma_wait3A_65, %dma_wait3A_66] : memref<16x128x8xf32, #tpu.memory_space<vmem>> -> memref<1x128x8xf32, #tpu.memory_space<vmem>>
    %dma_wait3A_68 = tpu.memref_squeeze %dma_wait3A_67 : memref<1x128x8xf32, #tpu.memory_space<vmem>> -> memref<128x8xf32, #tpu.memory_space<vmem>>
    %dma_wait3A_69 = arith.constant 0 : i32
    %dma_wait3A_70 = arith.constant 0 : i32
    %dma_wait3A_71 = tpu.memref_slice %arg9[%dma_wait3A_69, %dma_wait3A_70] : memref<10240x8xf32, #tpu.memory_space<vmem_shared>> -> memref<128x8xf32, #tpu.memory_space<vmem_shared>>
    %dma_wait3A_72 = arith.constant 0 : i32
    %dma_wait3A_73 = arith.constant 0 : i32
    %dma_wait3A_74 = tpu.memref_slice %arg9[%dma_wait3A_72, %dma_wait3A_73] : memref<10240x8xf32, #tpu.memory_space<vmem_shared>> -> memref<128x8xf32, #tpu.memory_space<vmem_shared>>
    %dma_wait3A_75 = arith.constant 0 : i32
    %dma_wait3A_76 = arith.constant 0 : i32
    %dma_wait3A_77 = tpu.memref_slice %arg7[%dma_wait3A_64, %dma_wait3A_75, %dma_wait3A_76] : memref<16x128x8xf32, #tpu.memory_space<vmem>> -> memref<1x128x8xf32, #tpu.memory_space<vmem>>
    %dma_wait3A_78 = tpu.memref_squeeze %dma_wait3A_77 : memref<1x128x8xf32, #tpu.memory_space<vmem>> -> memref<128x8xf32, #tpu.memory_space<vmem>>
    tpu.wait_dma2 semaphore(%arg11 : memref<!tpu.dma_semaphore, #tpu.memory_space<semaphore_mem>>) src(%dma_wait3A_78 : memref<128x8xf32, #tpu.memory_space<vmem>>) dst(%dma_wait3A_74 : memref<128x8xf32, #tpu.memory_space<vmem_shared>>)
    %dma_wait3A_79 = arith.constant 1 : i32
    %dma_wait3A_80 = arith.constant 0 : i32
    %dma_wait3A_81 = arith.constant 0 : i32
    %dma_wait3A_82 = tpu.memref_slice %arg7[%dma_wait3A_79, %dma_wait3A_80, %dma_wait3A_81] : memref<16x128x8xf32, #tpu.memory_space<vmem>> -> memref<1x128x8xf32, #tpu.memory_space<vmem>>
    %dma_wait3A_83 = tpu.memref_squeeze %dma_wait3A_82 : memref<1x128x8xf32, #tpu.memory_space<vmem>> -> memref<128x8xf32, #tpu.memory_space<vmem>>
    %dma_wait3A_84 = arith.constant 0 : i32
    %dma_wait3A_85 = arith.constant 0 : i32
    %dma_wait3A_86 = tpu.memref_slice %arg9[%dma_wait3A_84, %dma_wait3A_85] : memref<10240x8xf32, #tpu.memory_space<vmem_shared>> -> memref<128x8xf32, #tpu.memory_space<vmem_shared>>
    %dma_wait3A_87 = arith.constant 0 : i32
    %dma_wait3A_88 = arith.constant 0 : i32
    %dma_wait3A_89 = tpu.memref_slice %arg9[%dma_wait3A_87, %dma_wait3A_88] : memref<10240x8xf32, #tpu.memory_space<vmem_shared>> -> memref<128x8xf32, #tpu.memory_space<vmem_shared>>
    %dma_wait3A_90 = arith.constant 0 : i32
    %dma_wait3A_91 = arith.constant 0 : i32
    %dma_wait3A_92 = tpu.memref_slice %arg7[%dma_wait3A_79, %dma_wait3A_90, %dma_wait3A_91] : memref<16x128x8xf32, #tpu.memory_space<vmem>> -> memref<1x128x8xf32, #tpu.memory_space<vmem>>
    %dma_wait3A_93 = tpu.memref_squeeze %dma_wait3A_92 : memref<1x128x8xf32, #tpu.memory_space<vmem>> -> memref<128x8xf32, #tpu.memory_space<vmem>>
    tpu.wait_dma2 semaphore(%arg11 : memref<!tpu.dma_semaphore, #tpu.memory_space<semaphore_mem>>) src(%dma_wait3A_93 : memref<128x8xf32, #tpu.memory_space<vmem>>) dst(%dma_wait3A_89 : memref<128x8xf32, #tpu.memory_space<vmem_shared>>)
    %dma_wait3A_94 = arith.constant 2 : i32
    %dma_wait3A_95 = arith.constant 0 : i32
    %dma_wait3A_96 = arith.constant 0 : i32
    %dma_wait3A_97 = tpu.memref_slice %arg7[%dma_wait3A_94, %dma_wait3A_95, %dma_wait3A_96] : memref<16x128x8xf32, #tpu.memory_space<vmem>> -> memref<1x128x8xf32, #tpu.memory_space<vmem>>
    %dma_wait3A_98 = tpu.memref_squeeze %dma_wait3A_97 : memref<1x128x8xf32, #tpu.memory_space<vmem>> -> memref<128x8xf32, #tpu.memory_space<vmem>>
    %dma_wait3A_99 = arith.constant 0 : i32
    %dma_wait3A_100 = arith.constant 0 : i32
    %dma_wait3A_101 = tpu.memref_slice %arg9[%dma_wait3A_99, %dma_wait3A_100] : memref<10240x8xf32, #tpu.memory_space<vmem_shared>> -> memref<128x8xf32, #tpu.memory_space<vmem_shared>>
    %dma_wait3A_102 = arith.constant 0 : i32
    %dma_wait3A_103 = arith.constant 0 : i32
    %dma_wait3A_104 = tpu.memref_slice %arg9[%dma_wait3A_102, %dma_wait3A_103] : memref<10240x8xf32, #tpu.memory_space<vmem_shared>> -> memref<128x8xf32, #tpu.memory_space<vmem_shared>>
    %dma_wait3A_105 = arith.constant 0 : i32
    %dma_wait3A_106 = arith.constant 0 : i32
    %dma_wait3A_107 = tpu.memref_slice %arg7[%dma_wait3A_94, %dma_wait3A_105, %dma_wait3A_106] : memref<16x128x8xf32, #tpu.memory_space<vmem>> -> memref<1x128x8xf32, #tpu.memory_space<vmem>>
    %dma_wait3A_108 = tpu.memref_squeeze %dma_wait3A_107 : memref<1x128x8xf32, #tpu.memory_space<vmem>> -> memref<128x8xf32, #tpu.memory_space<vmem>>
    tpu.wait_dma2 semaphore(%arg11 : memref<!tpu.dma_semaphore, #tpu.memory_space<semaphore_mem>>) src(%dma_wait3A_108 : memref<128x8xf32, #tpu.memory_space<vmem>>) dst(%dma_wait3A_104 : memref<128x8xf32, #tpu.memory_space<vmem_shared>>)
    %dma_wait3A_109 = arith.constant 3 : i32
    %dma_wait3A_110 = arith.constant 0 : i32
    %dma_wait3A_111 = arith.constant 0 : i32
    %dma_wait3A_112 = tpu.memref_slice %arg7[%dma_wait3A_109, %dma_wait3A_110, %dma_wait3A_111] : memref<16x128x8xf32, #tpu.memory_space<vmem>> -> memref<1x128x8xf32, #tpu.memory_space<vmem>>
    %dma_wait3A_113 = tpu.memref_squeeze %dma_wait3A_112 : memref<1x128x8xf32, #tpu.memory_space<vmem>> -> memref<128x8xf32, #tpu.memory_space<vmem>>
    %dma_wait3A_114 = arith.constant 0 : i32
    %dma_wait3A_115 = arith.constant 0 : i32
    %dma_wait3A_116 = tpu.memref_slice %arg9[%dma_wait3A_114, %dma_wait3A_115] : memref<10240x8xf32, #tpu.memory_space<vmem_shared>> -> memref<128x8xf32, #tpu.memory_space<vmem_shared>>
    %dma_wait3A_117 = arith.constant 0 : i32
    %dma_wait3A_118 = arith.constant 0 : i32
    %dma_wait3A_119 = tpu.memref_slice %arg9[%dma_wait3A_117, %dma_wait3A_118] : memref<10240x8xf32, #tpu.memory_space<vmem_shared>> -> memref<128x8xf32, #tpu.memory_space<vmem_shared>>
    %dma_wait3A_120 = arith.constant 0 : i32
    %dma_wait3A_121 = arith.constant 0 : i32
    %dma_wait3A_122 = tpu.memref_slice %arg7[%dma_wait3A_109, %dma_wait3A_120, %dma_wait3A_121] : memref<16x128x8xf32, #tpu.memory_space<vmem>> -> memref<1x128x8xf32, #tpu.memory_space<vmem>>
    %dma_wait3A_123 = tpu.memref_squeeze %dma_wait3A_122 : memref<1x128x8xf32, #tpu.memory_space<vmem>> -> memref<128x8xf32, #tpu.memory_space<vmem>>
    tpu.wait_dma2 semaphore(%arg11 : memref<!tpu.dma_semaphore, #tpu.memory_space<semaphore_mem>>) src(%dma_wait3A_123 : memref<128x8xf32, #tpu.memory_space<vmem>>) dst(%dma_wait3A_119 : memref<128x8xf32, #tpu.memory_space<vmem_shared>>)
    %dma_wait3A_124 = arith.constant 4 : i32
    %dma_wait3A_125 = arith.constant 0 : i32
    %dma_wait3A_126 = arith.constant 0 : i32
    %dma_wait3A_127 = tpu.memref_slice %arg7[%dma_wait3A_124, %dma_wait3A_125, %dma_wait3A_126] : memref<16x128x8xf32, #tpu.memory_space<vmem>> -> memref<1x128x8xf32, #tpu.memory_space<vmem>>
    %dma_wait3A_128 = tpu.memref_squeeze %dma_wait3A_127 : memref<1x128x8xf32, #tpu.memory_space<vmem>> -> memref<128x8xf32, #tpu.memory_space<vmem>>
    %dma_wait3A_129 = arith.constant 0 : i32
    %dma_wait3A_130 = arith.constant 0 : i32
    %dma_wait3A_131 = tpu.memref_slice %arg9[%dma_wait3A_129, %dma_wait3A_130] : memref<10240x8xf32, #tpu.memory_space<vmem_shared>> -> memref<128x8xf32, #tpu.memory_space<vmem_shared>>
    %dma_wait3A_132 = arith.constant 0 : i32
    %dma_wait3A_133 = arith.constant 0 : i32
    %dma_wait3A_134 = tpu.memref_slice %arg9[%dma_wait3A_132, %dma_wait3A_133] : memref<10240x8xf32, #tpu.memory_space<vmem_shared>> -> memref<128x8xf32, #tpu.memory_space<vmem_shared>>
    %dma_wait3A_135 = arith.constant 0 : i32
    %dma_wait3A_136 = arith.constant 0 : i32
    %dma_wait3A_137 = tpu.memref_slice %arg7[%dma_wait3A_124, %dma_wait3A_135, %dma_wait3A_136] : memref<16x128x8xf32, #tpu.memory_space<vmem>> -> memref<1x128x8xf32, #tpu.memory_space<vmem>>
    %dma_wait3A_138 = tpu.memref_squeeze %dma_wait3A_137 : memref<1x128x8xf32, #tpu.memory_space<vmem>> -> memref<128x8xf32, #tpu.memory_space<vmem>>
    tpu.wait_dma2 semaphore(%arg11 : memref<!tpu.dma_semaphore, #tpu.memory_space<semaphore_mem>>) src(%dma_wait3A_138 : memref<128x8xf32, #tpu.memory_space<vmem>>) dst(%dma_wait3A_134 : memref<128x8xf32, #tpu.memory_space<vmem_shared>>)
    %dma_wait3A_139 = arith.constant 5 : i32
    %dma_wait3A_140 = arith.constant 0 : i32
    %dma_wait3A_141 = arith.constant 0 : i32
    %dma_wait3A_142 = tpu.memref_slice %arg7[%dma_wait3A_139, %dma_wait3A_140, %dma_wait3A_141] : memref<16x128x8xf32, #tpu.memory_space<vmem>> -> memref<1x128x8xf32, #tpu.memory_space<vmem>>
    %dma_wait3A_143 = tpu.memref_squeeze %dma_wait3A_142 : memref<1x128x8xf32, #tpu.memory_space<vmem>> -> memref<128x8xf32, #tpu.memory_space<vmem>>
    %dma_wait3A_144 = arith.constant 0 : i32
    %dma_wait3A_145 = arith.constant 0 : i32
    %dma_wait3A_146 = tpu.memref_slice %arg9[%dma_wait3A_144, %dma_wait3A_145] : memref<10240x8xf32, #tpu.memory_space<vmem_shared>> -> memref<128x8xf32, #tpu.memory_space<vmem_shared>>
    %dma_wait3A_147 = arith.constant 0 : i32
    %dma_wait3A_148 = arith.constant 0 : i32
    %dma_wait3A_149 = tpu.memref_slice %arg9[%dma_wait3A_147, %dma_wait3A_148] : memref<10240x8xf32, #tpu.memory_space<vmem_shared>> -> memref<128x8xf32, #tpu.memory_space<vmem_shared>>
    %dma_wait3A_150 = arith.constant 0 : i32
    %dma_wait3A_151 = arith.constant 0 : i32
    %dma_wait3A_152 = tpu.memref_slice %arg7[%dma_wait3A_139, %dma_wait3A_150, %dma_wait3A_151] : memref<16x128x8xf32, #tpu.memory_space<vmem>> -> memref<1x128x8xf32, #tpu.memory_space<vmem>>
    %dma_wait3A_153 = tpu.memref_squeeze %dma_wait3A_152 : memref<1x128x8xf32, #tpu.memory_space<vmem>> -> memref<128x8xf32, #tpu.memory_space<vmem>>
    tpu.wait_dma2 semaphore(%arg11 : memref<!tpu.dma_semaphore, #tpu.memory_space<semaphore_mem>>) src(%dma_wait3A_153 : memref<128x8xf32, #tpu.memory_space<vmem>>) dst(%dma_wait3A_149 : memref<128x8xf32, #tpu.memory_space<vmem_shared>>)
    %dma_wait3A_154 = arith.constant 6 : i32
    %dma_wait3A_155 = arith.constant 0 : i32
    %dma_wait3A_156 = arith.constant 0 : i32
    %dma_wait3A_157 = tpu.memref_slice %arg7[%dma_wait3A_154, %dma_wait3A_155, %dma_wait3A_156] : memref<16x128x8xf32, #tpu.memory_space<vmem>> -> memref<1x128x8xf32, #tpu.memory_space<vmem>>
    %dma_wait3A_158 = tpu.memref_squeeze %dma_wait3A_157 : memref<1x128x8xf32, #tpu.memory_space<vmem>> -> memref<128x8xf32, #tpu.memory_space<vmem>>
    %dma_wait3A_159 = arith.constant 0 : i32
    %dma_wait3A_160 = arith.constant 0 : i32
    %dma_wait3A_161 = tpu.memref_slice %arg9[%dma_wait3A_159, %dma_wait3A_160] : memref<10240x8xf32, #tpu.memory_space<vmem_shared>> -> memref<128x8xf32, #tpu.memory_space<vmem_shared>>
    %dma_wait3A_162 = arith.constant 0 : i32
    %dma_wait3A_163 = arith.constant 0 : i32
    %dma_wait3A_164 = tpu.memref_slice %arg9[%dma_wait3A_162, %dma_wait3A_163] : memref<10240x8xf32, #tpu.memory_space<vmem_shared>> -> memref<128x8xf32, #tpu.memory_space<vmem_shared>>
    %dma_wait3A_165 = arith.constant 0 : i32
    %dma_wait3A_166 = arith.constant 0 : i32
    %dma_wait3A_167 = tpu.memref_slice %arg7[%dma_wait3A_154, %dma_wait3A_165, %dma_wait3A_166] : memref<16x128x8xf32, #tpu.memory_space<vmem>> -> memref<1x128x8xf32, #tpu.memory_space<vmem>>
    %dma_wait3A_168 = tpu.memref_squeeze %dma_wait3A_167 : memref<1x128x8xf32, #tpu.memory_space<vmem>> -> memref<128x8xf32, #tpu.memory_space<vmem>>
    tpu.wait_dma2 semaphore(%arg11 : memref<!tpu.dma_semaphore, #tpu.memory_space<semaphore_mem>>) src(%dma_wait3A_168 : memref<128x8xf32, #tpu.memory_space<vmem>>) dst(%dma_wait3A_164 : memref<128x8xf32, #tpu.memory_space<vmem_shared>>)
    %dma_wait3A_169 = arith.constant 7 : i32
    %dma_wait3A_170 = arith.constant 0 : i32
    %dma_wait3A_171 = arith.constant 0 : i32
    %dma_wait3A_172 = tpu.memref_slice %arg7[%dma_wait3A_169, %dma_wait3A_170, %dma_wait3A_171] : memref<16x128x8xf32, #tpu.memory_space<vmem>> -> memref<1x128x8xf32, #tpu.memory_space<vmem>>
    %dma_wait3A_173 = tpu.memref_squeeze %dma_wait3A_172 : memref<1x128x8xf32, #tpu.memory_space<vmem>> -> memref<128x8xf32, #tpu.memory_space<vmem>>
    %dma_wait3A_174 = arith.constant 0 : i32
    %dma_wait3A_175 = arith.constant 0 : i32
    %dma_wait3A_176 = tpu.memref_slice %arg9[%dma_wait3A_174, %dma_wait3A_175] : memref<10240x8xf32, #tpu.memory_space<vmem_shared>> -> memref<128x8xf32, #tpu.memory_space<vmem_shared>>
    %dma_wait3A_177 = arith.constant 0 : i32
    %dma_wait3A_178 = arith.constant 0 : i32
    %dma_wait3A_179 = tpu.memref_slice %arg9[%dma_wait3A_177, %dma_wait3A_178] : memref<10240x8xf32, #tpu.memory_space<vmem_shared>> -> memref<128x8xf32, #tpu.memory_space<vmem_shared>>
    %dma_wait3A_180 = arith.constant 0 : i32
    %dma_wait3A_181 = arith.constant 0 : i32
    %dma_wait3A_182 = tpu.memref_slice %arg7[%dma_wait3A_169, %dma_wait3A_180, %dma_wait3A_181] : memref<16x128x8xf32, #tpu.memory_space<vmem>> -> memref<1x128x8xf32, #tpu.memory_space<vmem>>
    %dma_wait3A_183 = tpu.memref_squeeze %dma_wait3A_182 : memref<1x128x8xf32, #tpu.memory_space<vmem>> -> memref<128x8xf32, #tpu.memory_space<vmem>>
    tpu.wait_dma2 semaphore(%arg11 : memref<!tpu.dma_semaphore, #tpu.memory_space<semaphore_mem>>) src(%dma_wait3A_183 : memref<128x8xf32, #tpu.memory_space<vmem>>) dst(%dma_wait3A_179 : memref<128x8xf32, #tpu.memory_space<vmem_shared>>)
    %dma_wait3A_184 = arith.constant 8 : i32
    %dma_wait3A_185 = arith.constant 0 : i32
    %dma_wait3A_186 = arith.constant 0 : i32
    %dma_wait3A_187 = tpu.memref_slice %arg7[%dma_wait3A_184, %dma_wait3A_185, %dma_wait3A_186] : memref<16x128x8xf32, #tpu.memory_space<vmem>> -> memref<1x128x8xf32, #tpu.memory_space<vmem>>
    %dma_wait3A_188 = tpu.memref_squeeze %dma_wait3A_187 : memref<1x128x8xf32, #tpu.memory_space<vmem>> -> memref<128x8xf32, #tpu.memory_space<vmem>>
    %dma_wait3A_189 = arith.constant 0 : i32
    %dma_wait3A_190 = arith.constant 0 : i32
    %dma_wait3A_191 = tpu.memref_slice %arg9[%dma_wait3A_189, %dma_wait3A_190] : memref<10240x8xf32, #tpu.memory_space<vmem_shared>> -> memref<128x8xf32, #tpu.memory_space<vmem_shared>>
    %dma_wait3A_192 = arith.constant 0 : i32
    %dma_wait3A_193 = arith.constant 0 : i32
    %dma_wait3A_194 = tpu.memref_slice %arg9[%dma_wait3A_192, %dma_wait3A_193] : memref<10240x8xf32, #tpu.memory_space<vmem_shared>> -> memref<128x8xf32, #tpu.memory_space<vmem_shared>>
    %dma_wait3A_195 = arith.constant 0 : i32
    %dma_wait3A_196 = arith.constant 0 : i32
    %dma_wait3A_197 = tpu.memref_slice %arg7[%dma_wait3A_184, %dma_wait3A_195, %dma_wait3A_196] : memref<16x128x8xf32, #tpu.memory_space<vmem>> -> memref<1x128x8xf32, #tpu.memory_space<vmem>>
    %dma_wait3A_198 = tpu.memref_squeeze %dma_wait3A_197 : memref<1x128x8xf32, #tpu.memory_space<vmem>> -> memref<128x8xf32, #tpu.memory_space<vmem>>
    tpu.wait_dma2 semaphore(%arg11 : memref<!tpu.dma_semaphore, #tpu.memory_space<semaphore_mem>>) src(%dma_wait3A_198 : memref<128x8xf32, #tpu.memory_space<vmem>>) dst(%dma_wait3A_194 : memref<128x8xf32, #tpu.memory_space<vmem_shared>>)
    %dma_wait3A_199 = arith.constant 9 : i32
    %dma_wait3A_200 = arith.constant 0 : i32
    %dma_wait3A_201 = arith.constant 0 : i32
    %dma_wait3A_202 = tpu.memref_slice %arg7[%dma_wait3A_199, %dma_wait3A_200, %dma_wait3A_201] : memref<16x128x8xf32, #tpu.memory_space<vmem>> -> memref<1x128x8xf32, #tpu.memory_space<vmem>>
    %dma_wait3A_203 = tpu.memref_squeeze %dma_wait3A_202 : memref<1x128x8xf32, #tpu.memory_space<vmem>> -> memref<128x8xf32, #tpu.memory_space<vmem>>
    %dma_wait3A_204 = arith.constant 0 : i32
    %dma_wait3A_205 = arith.constant 0 : i32
    %dma_wait3A_206 = tpu.memref_slice %arg9[%dma_wait3A_204, %dma_wait3A_205] : memref<10240x8xf32, #tpu.memory_space<vmem_shared>> -> memref<128x8xf32, #tpu.memory_space<vmem_shared>>
    %dma_wait3A_207 = arith.constant 0 : i32
    %dma_wait3A_208 = arith.constant 0 : i32
    %dma_wait3A_209 = tpu.memref_slice %arg9[%dma_wait3A_207, %dma_wait3A_208] : memref<10240x8xf32, #tpu.memory_space<vmem_shared>> -> memref<128x8xf32, #tpu.memory_space<vmem_shared>>
    %dma_wait3A_210 = arith.constant 0 : i32
    %dma_wait3A_211 = arith.constant 0 : i32
    %dma_wait3A_212 = tpu.memref_slice %arg7[%dma_wait3A_199, %dma_wait3A_210, %dma_wait3A_211] : memref<16x128x8xf32, #tpu.memory_space<vmem>> -> memref<1x128x8xf32, #tpu.memory_space<vmem>>
    %dma_wait3A_213 = tpu.memref_squeeze %dma_wait3A_212 : memref<1x128x8xf32, #tpu.memory_space<vmem>> -> memref<128x8xf32, #tpu.memory_space<vmem>>
    tpu.wait_dma2 semaphore(%arg11 : memref<!tpu.dma_semaphore, #tpu.memory_space<semaphore_mem>>) src(%dma_wait3A_213 : memref<128x8xf32, #tpu.memory_space<vmem>>) dst(%dma_wait3A_209 : memref<128x8xf32, #tpu.memory_space<vmem_shared>>)
    %dma_wait3A_214 = arith.constant 10 : i32
    %dma_wait3A_215 = arith.constant 0 : i32
    %dma_wait3A_216 = arith.constant 0 : i32
    %dma_wait3A_217 = tpu.memref_slice %arg7[%dma_wait3A_214, %dma_wait3A_215, %dma_wait3A_216] : memref<16x128x8xf32, #tpu.memory_space<vmem>> -> memref<1x128x8xf32, #tpu.memory_space<vmem>>
    %dma_wait3A_218 = tpu.memref_squeeze %dma_wait3A_217 : memref<1x128x8xf32, #tpu.memory_space<vmem>> -> memref<128x8xf32, #tpu.memory_space<vmem>>
    %dma_wait3A_219 = arith.constant 0 : i32
    %dma_wait3A_220 = arith.constant 0 : i32
    %dma_wait3A_221 = tpu.memref_slice %arg9[%dma_wait3A_219, %dma_wait3A_220] : memref<10240x8xf32, #tpu.memory_space<vmem_shared>> -> memref<128x8xf32, #tpu.memory_space<vmem_shared>>
    %dma_wait3A_222 = arith.constant 0 : i32
    %dma_wait3A_223 = arith.constant 0 : i32
    %dma_wait3A_224 = tpu.memref_slice %arg9[%dma_wait3A_222, %dma_wait3A_223] : memref<10240x8xf32, #tpu.memory_space<vmem_shared>> -> memref<128x8xf32, #tpu.memory_space<vmem_shared>>
    %dma_wait3A_225 = arith.constant 0 : i32
    %dma_wait3A_226 = arith.constant 0 : i32
    %dma_wait3A_227 = tpu.memref_slice %arg7[%dma_wait3A_214, %dma_wait3A_225, %dma_wait3A_226] : memref<16x128x8xf32, #tpu.memory_space<vmem>> -> memref<1x128x8xf32, #tpu.memory_space<vmem>>
    %dma_wait3A_228 = tpu.memref_squeeze %dma_wait3A_227 : memref<1x128x8xf32, #tpu.memory_space<vmem>> -> memref<128x8xf32, #tpu.memory_space<vmem>>
    tpu.wait_dma2 semaphore(%arg11 : memref<!tpu.dma_semaphore, #tpu.memory_space<semaphore_mem>>) src(%dma_wait3A_228 : memref<128x8xf32, #tpu.memory_space<vmem>>) dst(%dma_wait3A_224 : memref<128x8xf32, #tpu.memory_space<vmem_shared>>)
    %dma_wait3A_229 = arith.constant 11 : i32
    %dma_wait3A_230 = arith.constant 0 : i32
    %dma_wait3A_231 = arith.constant 0 : i32
    %dma_wait3A_232 = tpu.memref_slice %arg7[%dma_wait3A_229, %dma_wait3A_230, %dma_wait3A_231] : memref<16x128x8xf32, #tpu.memory_space<vmem>> -> memref<1x128x8xf32, #tpu.memory_space<vmem>>
    %dma_wait3A_233 = tpu.memref_squeeze %dma_wait3A_232 : memref<1x128x8xf32, #tpu.memory_space<vmem>> -> memref<128x8xf32, #tpu.memory_space<vmem>>
    %dma_wait3A_234 = arith.constant 0 : i32
    %dma_wait3A_235 = arith.constant 0 : i32
    %dma_wait3A_236 = tpu.memref_slice %arg9[%dma_wait3A_234, %dma_wait3A_235] : memref<10240x8xf32, #tpu.memory_space<vmem_shared>> -> memref<128x8xf32, #tpu.memory_space<vmem_shared>>
    %dma_wait3A_237 = arith.constant 0 : i32
    %dma_wait3A_238 = arith.constant 0 : i32
    %dma_wait3A_239 = tpu.memref_slice %arg9[%dma_wait3A_237, %dma_wait3A_238] : memref<10240x8xf32, #tpu.memory_space<vmem_shared>> -> memref<128x8xf32, #tpu.memory_space<vmem_shared>>
    %dma_wait3A_240 = arith.constant 0 : i32
    %dma_wait3A_241 = arith.constant 0 : i32
    %dma_wait3A_242 = tpu.memref_slice %arg7[%dma_wait3A_229, %dma_wait3A_240, %dma_wait3A_241] : memref<16x128x8xf32, #tpu.memory_space<vmem>> -> memref<1x128x8xf32, #tpu.memory_space<vmem>>
    %dma_wait3A_243 = tpu.memref_squeeze %dma_wait3A_242 : memref<1x128x8xf32, #tpu.memory_space<vmem>> -> memref<128x8xf32, #tpu.memory_space<vmem>>
    tpu.wait_dma2 semaphore(%arg11 : memref<!tpu.dma_semaphore, #tpu.memory_space<semaphore_mem>>) src(%dma_wait3A_243 : memref<128x8xf32, #tpu.memory_space<vmem>>) dst(%dma_wait3A_239 : memref<128x8xf32, #tpu.memory_space<vmem_shared>>)
    %dma_wait3A_244 = arith.constant 12 : i32
    %dma_wait3A_245 = arith.constant 0 : i32
    %dma_wait3A_246 = arith.constant 0 : i32
    %dma_wait3A_247 = tpu.memref_slice %arg7[%dma_wait3A_244, %dma_wait3A_245, %dma_wait3A_246] : memref<16x128x8xf32, #tpu.memory_space<vmem>> -> memref<1x128x8xf32, #tpu.memory_space<vmem>>
    %dma_wait3A_248 = tpu.memref_squeeze %dma_wait3A_247 : memref<1x128x8xf32, #tpu.memory_space<vmem>> -> memref<128x8xf32, #tpu.memory_space<vmem>>
    %dma_wait3A_249 = arith.constant 0 : i32
    %dma_wait3A_250 = arith.constant 0 : i32
    %dma_wait3A_251 = tpu.memref_slice %arg9[%dma_wait3A_249, %dma_wait3A_250] : memref<10240x8xf32, #tpu.memory_space<vmem_shared>> -> memref<128x8xf32, #tpu.memory_space<vmem_shared>>
    %dma_wait3A_252 = arith.constant 0 : i32
    %dma_wait3A_253 = arith.constant 0 : i32
    %dma_wait3A_254 = tpu.memref_slice %arg9[%dma_wait3A_252, %dma_wait3A_253] : memref<10240x8xf32, #tpu.memory_space<vmem_shared>> -> memref<128x8xf32, #tpu.memory_space<vmem_shared>>
    %dma_wait3A_255 = arith.constant 0 : i32
    %dma_wait3A_256 = arith.constant 0 : i32
    %dma_wait3A_257 = tpu.memref_slice %arg7[%dma_wait3A_244, %dma_wait3A_255, %dma_wait3A_256] : memref<16x128x8xf32, #tpu.memory_space<vmem>> -> memref<1x128x8xf32, #tpu.memory_space<vmem>>
    %dma_wait3A_258 = tpu.memref_squeeze %dma_wait3A_257 : memref<1x128x8xf32, #tpu.memory_space<vmem>> -> memref<128x8xf32, #tpu.memory_space<vmem>>
    tpu.wait_dma2 semaphore(%arg11 : memref<!tpu.dma_semaphore, #tpu.memory_space<semaphore_mem>>) src(%dma_wait3A_258 : memref<128x8xf32, #tpu.memory_space<vmem>>) dst(%dma_wait3A_254 : memref<128x8xf32, #tpu.memory_space<vmem_shared>>)
    %dma_wait3A_259 = arith.constant 13 : i32
    %dma_wait3A_260 = arith.constant 0 : i32
    %dma_wait3A_261 = arith.constant 0 : i32
    %dma_wait3A_262 = tpu.memref_slice %arg7[%dma_wait3A_259, %dma_wait3A_260, %dma_wait3A_261] : memref<16x128x8xf32, #tpu.memory_space<vmem>> -> memref<1x128x8xf32, #tpu.memory_space<vmem>>
    %dma_wait3A_263 = tpu.memref_squeeze %dma_wait3A_262 : memref<1x128x8xf32, #tpu.memory_space<vmem>> -> memref<128x8xf32, #tpu.memory_space<vmem>>
    %dma_wait3A_264 = arith.constant 0 : i32
    %dma_wait3A_265 = arith.constant 0 : i32
    %dma_wait3A_266 = tpu.memref_slice %arg9[%dma_wait3A_264, %dma_wait3A_265] : memref<10240x8xf32, #tpu.memory_space<vmem_shared>> -> memref<128x8xf32, #tpu.memory_space<vmem_shared>>
    %dma_wait3A_267 = arith.constant 0 : i32
    %dma_wait3A_268 = arith.constant 0 : i32
    %dma_wait3A_269 = tpu.memref_slice %arg9[%dma_wait3A_267, %dma_wait3A_268] : memref<10240x8xf32, #tpu.memory_space<vmem_shared>> -> memref<128x8xf32, #tpu.memory_space<vmem_shared>>
    %dma_wait3A_270 = arith.constant 0 : i32
    %dma_wait3A_271 = arith.constant 0 : i32
    %dma_wait3A_272 = tpu.memref_slice %arg7[%dma_wait3A_259, %dma_wait3A_270, %dma_wait3A_271] : memref<16x128x8xf32, #tpu.memory_space<vmem>> -> memref<1x128x8xf32, #tpu.memory_space<vmem>>
    %dma_wait3A_273 = tpu.memref_squeeze %dma_wait3A_272 : memref<1x128x8xf32, #tpu.memory_space<vmem>> -> memref<128x8xf32, #tpu.memory_space<vmem>>
    tpu.wait_dma2 semaphore(%arg11 : memref<!tpu.dma_semaphore, #tpu.memory_space<semaphore_mem>>) src(%dma_wait3A_273 : memref<128x8xf32, #tpu.memory_space<vmem>>) dst(%dma_wait3A_269 : memref<128x8xf32, #tpu.memory_space<vmem_shared>>)
    %dma_wait3A_274 = arith.constant 14 : i32
    %dma_wait3A_275 = arith.constant 0 : i32
    %dma_wait3A_276 = arith.constant 0 : i32
    %dma_wait3A_277 = tpu.memref_slice %arg7[%dma_wait3A_274, %dma_wait3A_275, %dma_wait3A_276] : memref<16x128x8xf32, #tpu.memory_space<vmem>> -> memref<1x128x8xf32, #tpu.memory_space<vmem>>
    %dma_wait3A_278 = tpu.memref_squeeze %dma_wait3A_277 : memref<1x128x8xf32, #tpu.memory_space<vmem>> -> memref<128x8xf32, #tpu.memory_space<vmem>>
    %dma_wait3A_279 = arith.constant 0 : i32
    %dma_wait3A_280 = arith.constant 0 : i32
    %dma_wait3A_281 = tpu.memref_slice %arg9[%dma_wait3A_279, %dma_wait3A_280] : memref<10240x8xf32, #tpu.memory_space<vmem_shared>> -> memref<128x8xf32, #tpu.memory_space<vmem_shared>>
    %dma_wait3A_282 = arith.constant 0 : i32
    %dma_wait3A_283 = arith.constant 0 : i32
    %dma_wait3A_284 = tpu.memref_slice %arg9[%dma_wait3A_282, %dma_wait3A_283] : memref<10240x8xf32, #tpu.memory_space<vmem_shared>> -> memref<128x8xf32, #tpu.memory_space<vmem_shared>>
    %dma_wait3A_285 = arith.constant 0 : i32
    %dma_wait3A_286 = arith.constant 0 : i32
    %dma_wait3A_287 = tpu.memref_slice %arg7[%dma_wait3A_274, %dma_wait3A_285, %dma_wait3A_286] : memref<16x128x8xf32, #tpu.memory_space<vmem>> -> memref<1x128x8xf32, #tpu.memory_space<vmem>>
    %dma_wait3A_288 = tpu.memref_squeeze %dma_wait3A_287 : memref<1x128x8xf32, #tpu.memory_space<vmem>> -> memref<128x8xf32, #tpu.memory_space<vmem>>
    tpu.wait_dma2 semaphore(%arg11 : memref<!tpu.dma_semaphore, #tpu.memory_space<semaphore_mem>>) src(%dma_wait3A_288 : memref<128x8xf32, #tpu.memory_space<vmem>>) dst(%dma_wait3A_284 : memref<128x8xf32, #tpu.memory_space<vmem_shared>>)
    %dma_wait3A_289 = arith.constant 15 : i32
    %dma_wait3A_290 = arith.constant 0 : i32
    %dma_wait3A_291 = arith.constant 0 : i32
    %dma_wait3A_292 = tpu.memref_slice %arg7[%dma_wait3A_289, %dma_wait3A_290, %dma_wait3A_291] : memref<16x128x8xf32, #tpu.memory_space<vmem>> -> memref<1x128x8xf32, #tpu.memory_space<vmem>>
    %dma_wait3A_293 = tpu.memref_squeeze %dma_wait3A_292 : memref<1x128x8xf32, #tpu.memory_space<vmem>> -> memref<128x8xf32, #tpu.memory_space<vmem>>
    %dma_wait3A_294 = arith.constant 0 : i32
    %dma_wait3A_295 = arith.constant 0 : i32
    %dma_wait3A_296 = tpu.memref_slice %arg9[%dma_wait3A_294, %dma_wait3A_295] : memref<10240x8xf32, #tpu.memory_space<vmem_shared>> -> memref<128x8xf32, #tpu.memory_space<vmem_shared>>
    %dma_wait3A_297 = arith.constant 0 : i32
    %dma_wait3A_298 = arith.constant 0 : i32
    %dma_wait3A_299 = tpu.memref_slice %arg9[%dma_wait3A_297, %dma_wait3A_298] : memref<10240x8xf32, #tpu.memory_space<vmem_shared>> -> memref<128x8xf32, #tpu.memory_space<vmem_shared>>
    %dma_wait3A_300 = arith.constant 0 : i32
    %dma_wait3A_301 = arith.constant 0 : i32
    %dma_wait3A_302 = tpu.memref_slice %arg7[%dma_wait3A_289, %dma_wait3A_300, %dma_wait3A_301] : memref<16x128x8xf32, #tpu.memory_space<vmem>> -> memref<1x128x8xf32, #tpu.memory_space<vmem>>
    %dma_wait3A_303 = tpu.memref_squeeze %dma_wait3A_302 : memref<1x128x8xf32, #tpu.memory_space<vmem>> -> memref<128x8xf32, #tpu.memory_space<vmem>>
    tpu.wait_dma2 semaphore(%arg11 : memref<!tpu.dma_semaphore, #tpu.memory_space<semaphore_mem>>) src(%dma_wait3A_303 : memref<128x8xf32, #tpu.memory_space<vmem>>) dst(%dma_wait3A_299 : memref<128x8xf32, #tpu.memory_space<vmem_shared>>)
    %barrier3A_304 = arith.constant 0 : index
    tpu.barrier barrier_id(%barrier3A_304)
    %mul3A_305 = arith.constant 640 : i32
    %mul3A_306 = arith.muli %arg1, %mul3A_305 : i32
    %mul3A_307 = arith.constant 640 : i32
    %mul3A_308 = arith.muli %arg1, %mul3A_307 : i32
    "tpu.region"() ({
      %run_scoped3A = tpu.sem_alloc : memref<!tpu.dma_semaphore, #tpu.memory_space<semaphore_mem>>
      %dma_start3A_309 = arith.constant 0 : i32
      %dma_start3A_310 = tpu.memref_slice %arg4[%arg0, %mul3A_308, %dma_start3A_309] : memref<2x10240x8xf32, #tpu.memory_space<hbm>> -> memref<1x640x8xf32, #tpu.memory_space<hbm>>
      %dma_start3A_311 = tpu.memref_squeeze %dma_start3A_310 : memref<1x640x8xf32, #tpu.memory_space<hbm>> -> memref<640x8xf32, #tpu.memory_space<hbm>>
      %dma_start3A_312 = arith.constant 0 : i32
      %dma_start3A_313 = tpu.memref_slice %arg9[%mul3A_306, %dma_start3A_312] : memref<10240x8xf32, #tpu.memory_space<vmem_shared>> -> memref<640x8xf32, #tpu.memory_space<vmem_shared>>
      tpu.enqueue_dma source(%dma_start3A_313 : memref<640x8xf32, #tpu.memory_space<vmem_shared>>) target(%dma_start3A_311 : memref<640x8xf32, #tpu.memory_space<hbm>>) target_semaphore(%run_scoped3A : memref<!tpu.dma_semaphore, #tpu.memory_space<semaphore_mem>>)
      %dma_wait3A_314 = arith.constant 0 : i32
      %dma_wait3A_315 = tpu.memref_slice %arg4[%arg0, %mul3A_308, %dma_wait3A_314] : memref<2x10240x8xf32, #tpu.memory_space<hbm>> -> memref<1x640x8xf32, #tpu.memory_space<hbm>>
      %dma_wait3A_316 = tpu.memref_squeeze %dma_wait3A_315 : memref<1x640x8xf32, #tpu.memory_space<hbm>> -> memref<640x8xf32, #tpu.memory_space<hbm>>
      %dma_wait3A_317 = arith.constant 0 : i32
      %dma_wait3A_318 = tpu.memref_slice %arg9[%mul3A_306, %dma_wait3A_317] : memref<10240x8xf32, #tpu.memory_space<vmem_shared>> -> memref<640x8xf32, #tpu.memory_space<vmem_shared>>
      tpu.wait_dma2 semaphore(%run_scoped3A : memref<!tpu.dma_semaphore, #tpu.memory_space<semaphore_mem>>) src(%dma_wait3A_318 : memref<640x8xf32, #tpu.memory_space<vmem_shared>>) dst(%dma_wait3A_316 : memref<640x8xf32, #tpu.memory_space<hbm>>)
      tpu.yield
    }) : () -> ()
    return
  }
}

module attributes {stable_mosaic.version = 14 : i64} {
  func.func @_mlp_body(%arg0: i32, %arg1: memref<5000x256xf32, #tpu.memory_space<vmem>>, %arg2: memref<256x512xbf16, #tpu.memory_space<vmem>>, %arg3: memref<1x512xf32, #tpu.memory_space<vmem>>, %arg4: memref<512x8xbf16, #tpu.memory_space<vmem>>, %arg5: memref<5000x8xf32, #tpu.memory_space<vmem>>) attributes {dimension_semantics = [#tpu.dimension_semantics<arbitrary>], iteration_bounds = array<i64: 2>, scalar_prefetch = 0 : i64, scratch_operands = 0 : i64, tpu.core_type = #tpu.core_type<tc>, window_params = [{transform_indices = @transform_0, window_bounds = array<i64: 5000, 256>}, {pipeline_mode = #tpu.pipeline_mode<synchronous>, transform_indices = @transform_1, window_bounds = array<i64: 256, 512>}, {pipeline_mode = #tpu.pipeline_mode<synchronous>, transform_indices = @transform_2, window_bounds = array<i64: 1, 512>}, {pipeline_mode = #tpu.pipeline_mode<synchronous>, transform_indices = @transform_3, window_bounds = array<i64: 512, 8>}, {transform_indices = @transform_4, window_bounds = array<i64: 5000, 8>}]} {
    %get3A = arith.constant 0 : index
    %get3A_0 = arith.constant 0 : index
    %get3A_1 = vector.load %arg1[%get3A, %get3A_0] : memref<5000x256xf32, #tpu.memory_space<vmem>>, vector<5000x256xf32>
    %convert_element_type3A = arith.truncf %get3A_1 : vector<5000x256xf32> to vector<5000x256xbf16>
    %get3A_2 = arith.constant 0 : index
    %get3A_3 = arith.constant 0 : index
    %get3A_4 = vector.load %arg2[%get3A_2, %get3A_3] : memref<256x512xbf16, #tpu.memory_space<vmem>>, vector<256x512xbf16>
    %dot_general3A = arith.constant dense<0.000000e+00> : vector<5000x512xf32>
    %dot_general3A_5 = tpu.matmul %convert_element_type3A, %get3A_4, %dot_general3A {dimension_numbers = #tpu.dot_dimension_numbers<[1], [0], [0], [1], [0, 0, 1, 1], [], []>, transpose_lhs_hint = false} : vector<5000x256xbf16>, vector<256x512xbf16>, vector<5000x512xf32> -> vector<5000x512xf32>
    %get3A_6 = arith.constant 0 : index
    %get3A_7 = arith.constant 0 : index
    %get3A_8 = vector.load %arg3[%get3A_6, %get3A_7] : memref<1x512xf32, #tpu.memory_space<vmem>>, vector<1x512xf32>
    %add3A = vector.broadcast %get3A_8 : vector<1x512xf32> to vector<5000x512xf32>
    %add3A_9 = arith.addf %dot_general3A_5, %add3A : vector<5000x512xf32>
    %max3A = arith.constant 0.000000e+00 : f32
    %max3A_10 = vector.broadcast %max3A : f32 to vector<5000x512xf32>
    %max3A_11 = arith.maximumf %add3A_9, %max3A_10 : vector<5000x512xf32>
    %convert_element_type3A_12 = arith.truncf %max3A_11 : vector<5000x512xf32> to vector<5000x512xbf16>
    %get3A_13 = arith.constant 0 : index
    %get3A_14 = arith.constant 0 : index
    %get3A_15 = vector.load %arg4[%get3A_13, %get3A_14] : memref<512x8xbf16, #tpu.memory_space<vmem>>, vector<512x8xbf16>
    %dot_general3A_16 = arith.constant dense<0.000000e+00> : vector<5000x8xf32>
    %dot_general3A_17 = tpu.matmul %convert_element_type3A_12, %get3A_15, %dot_general3A_16 {dimension_numbers = #tpu.dot_dimension_numbers<[1], [0], [0], [1], [0, 0, 1, 1], [], []>, transpose_lhs_hint = false} : vector<5000x512xbf16>, vector<512x8xbf16>, vector<5000x8xf32> -> vector<5000x8xf32>
    %swap3A = arith.constant 0 : index
    %swap3A_18 = arith.constant 0 : index
    %swap3A_19 = vector.load %arg5[%swap3A, %swap3A_18] : memref<5000x8xf32, #tpu.memory_space<vmem>>, vector<5000x8xf32>
    tpu.vector_store %arg5[%swap3A, %swap3A_18], %dot_general3A_17 {strides = array<i32>} : memref<5000x8xf32, #tpu.memory_space<vmem>>, vector<5000x8xf32>,
    return
  }
  func.func @transform_0(%arg0: i32) -> (i32, i32) {
    %c0_i32 = arith.constant 0 : i32
    %c0_i32_0 = arith.constant 0 : i32
    return %arg0, %c0_i32 : i32, i32
  }
  func.func @transform_1(%arg0: i32) -> (i32, i32) {
    %c0_i32 = arith.constant 0 : i32
    %c0_i32_0 = arith.constant 0 : i32
    %c0_i32_1 = arith.constant 0 : i32
    return %c0_i32, %c0_i32_0 : i32, i32
  }
  func.func @transform_2(%arg0: i32) -> (i32, i32) {
    %c0_i32 = arith.constant 0 : i32
    %c0_i32_0 = arith.constant 0 : i32
    %c0_i32_1 = arith.constant 0 : i32
    return %c0_i32, %c0_i32_0 : i32, i32
  }
  func.func @transform_3(%arg0: i32) -> (i32, i32) {
    %c0_i32 = arith.constant 0 : i32
    %c0_i32_0 = arith.constant 0 : i32
    %c0_i32_1 = arith.constant 0 : i32
    return %c0_i32, %c0_i32_0 : i32, i32
  }
  func.func @transform_4(%arg0: i32) -> (i32, i32) {
    %c0_i32 = arith.constant 0 : i32
    %c0_i32_0 = arith.constant 0 : i32
    return %arg0, %c0_i32 : i32, i32
  }
}

module attributes {stable_mosaic.version = 14 : i64} {
  func.func @_finish_body(%arg0: memref<640x128xf32, #tpu.memory_space<vmem>>, %arg1: memref<2x640x128xf32, #tpu.memory_space<vmem>>, %arg2: memref<1x10240xi32, #tpu.memory_space<vmem>>, %arg3: memref<1x128xf32, #tpu.memory_space<vmem>>, %arg4: memref<1x1xf32, #tpu.memory_space<smem>>, %arg5: memref<1x1xf32, #tpu.memory_space<smem>>, %arg6: memref<64x3xf32, #tpu.memory_space<vmem>>) attributes {dimension_semantics = [], scalar_prefetch = 0 : i64, scratch_operands = 0 : i64, tpu.core_type = #tpu.core_type<tc>} {
    %get3A = arith.constant 0 : index
    %get3A_0 = arith.constant 0 : index
    %get3A_1 = memref.load %arg4[%get3A, %get3A_0] : memref<1x1xf32, #tpu.memory_space<smem>>
    %get3A_2 = arith.constant 0 : index
    %get3A_3 = arith.constant 0 : index
    %get3A_4 = memref.load %arg5[%get3A_2, %get3A_3] : memref<1x1xf32, #tpu.memory_space<smem>>
    %div3A = arith.constant 1.000000e+00 : f32
    %div3A_5 = arith.divf %div3A, %get3A_4 : f32
    %sub3A = arith.constant 1.000000e+00 : f32
    %sub3A_6 = arith.subf %get3A_1, %sub3A : f32
    %get3A_7 = arith.constant 0 : index
    %get3A_8 = arith.constant 0 : index
    %get3A_9 = vector.load %arg0[%get3A_7, %get3A_8] : memref<640x128xf32, #tpu.memory_space<vmem>>, vector<640x128xf32>
    %mul3A = vector.broadcast %sub3A_6 : f32 to vector<640x128xf32>
    %mul3A_10 = arith.mulf %mul3A, %get3A_9 : vector<640x128xf32>
    %get3A_11 = arith.constant 0 : index
    %get3A_12 = arith.constant 0 : index
    %get3A_13 = arith.constant 0 : index
    %get3A_14 = vector.load %arg1[%get3A_11, %get3A_12, %get3A_13] : memref<2x640x128xf32, #tpu.memory_space<vmem>>, vector<1x640x128xf32>
    %get3A_15 = vector.shape_cast %get3A_14 : vector<1x640x128xf32> to vector<640x128xf32>
    %add3A = arith.addf %mul3A_10, %get3A_15 : vector<640x128xf32>
    %get3A_16 = arith.constant 1 : index
    %get3A_17 = arith.constant 0 : index
    %get3A_18 = arith.constant 0 : index
    %get3A_19 = vector.load %arg1[%get3A_16, %get3A_17, %get3A_18] : memref<2x640x128xf32, #tpu.memory_space<vmem>>, vector<1x640x128xf32>
    %get3A_20 = vector.shape_cast %get3A_19 : vector<1x640x128xf32> to vector<640x128xf32>
    %add3A_21 = arith.addf %add3A, %get3A_20 : vector<640x128xf32>
    %get3A_22 = arith.constant 0 : index
    %get3A_23 = arith.constant 0 : index
    %get3A_24 = vector.load %arg3[%get3A_22, %get3A_23] : memref<1x128xf32, #tpu.memory_space<vmem>>, vector<1x128xf32>
    %add3A_25 = vector.broadcast %get3A_24 : vector<1x128xf32> to vector<640x128xf32>
    %add3A_26 = arith.addf %add3A_21, %add3A_25 : vector<640x128xf32>
    %slice3A = vector.extract_strided_slice %add3A_26 {offsets = [0, 0], sizes = [640, 8], strides = [1, 1]} : vector<640x128xf32> to vector<640x8xf32>
    %slice3A_27 = vector.extract_strided_slice %add3A_26 {offsets = [0, 8], sizes = [640, 8], strides = [1, 1]} : vector<640x128xf32> to vector<640x8xf32>
    %slice3A_28 = vector.extract_strided_slice %add3A_26 {offsets = [0, 16], sizes = [640, 8], strides = [1, 1]} : vector<640x128xf32> to vector<640x8xf32>
    %slice3A_29 = vector.extract_strided_slice %add3A_26 {offsets = [0, 24], sizes = [640, 8], strides = [1, 1]} : vector<640x128xf32> to vector<640x8xf32>
    %slice3A_30 = vector.extract_strided_slice %add3A_26 {offsets = [0, 32], sizes = [640, 8], strides = [1, 1]} : vector<640x128xf32> to vector<640x8xf32>
    %slice3A_31 = vector.extract_strided_slice %add3A_26 {offsets = [0, 40], sizes = [640, 8], strides = [1, 1]} : vector<640x128xf32> to vector<640x8xf32>
    %slice3A_32 = vector.extract_strided_slice %add3A_26 {offsets = [0, 48], sizes = [640, 8], strides = [1, 1]} : vector<640x128xf32> to vector<640x8xf32>
    %slice3A_33 = vector.extract_strided_slice %add3A_26 {offsets = [0, 56], sizes = [640, 8], strides = [1, 1]} : vector<640x128xf32> to vector<640x8xf32>
    %slice3A_34 = vector.extract_strided_slice %add3A_26 {offsets = [0, 64], sizes = [640, 8], strides = [1, 1]} : vector<640x128xf32> to vector<640x8xf32>
    %slice3A_35 = vector.extract_strided_slice %add3A_26 {offsets = [0, 72], sizes = [640, 8], strides = [1, 1]} : vector<640x128xf32> to vector<640x8xf32>
    %slice3A_36 = vector.extract_strided_slice %add3A_26 {offsets = [0, 80], sizes = [640, 8], strides = [1, 1]} : vector<640x128xf32> to vector<640x8xf32>
    %slice3A_37 = vector.extract_strided_slice %add3A_26 {offsets = [0, 88], sizes = [640, 8], strides = [1, 1]} : vector<640x128xf32> to vector<640x8xf32>
    %slice3A_38 = vector.extract_strided_slice %add3A_26 {offsets = [0, 96], sizes = [640, 8], strides = [1, 1]} : vector<640x128xf32> to vector<640x8xf32>
    %slice3A_39 = vector.extract_strided_slice %add3A_26 {offsets = [0, 104], sizes = [640, 8], strides = [1, 1]} : vector<640x128xf32> to vector<640x8xf32>
    %slice3A_40 = vector.extract_strided_slice %add3A_26 {offsets = [0, 112], sizes = [640, 8], strides = [1, 1]} : vector<640x128xf32> to vector<640x8xf32>
    %slice3A_41 = vector.extract_strided_slice %add3A_26 {offsets = [0, 120], sizes = [640, 8], strides = [1, 1]} : vector<640x128xf32> to vector<640x8xf32>
    %concatenate3A = tpu.concatenate %slice3A, %slice3A_27, %slice3A_28, %slice3A_29, %slice3A_30, %slice3A_31, %slice3A_32, %slice3A_33, %slice3A_34, %slice3A_35, %slice3A_36, %slice3A_37, %slice3A_38, %slice3A_39, %slice3A_40, %slice3A_41 in 0 : vector<640x8xf32>, vector<640x8xf32>, vector<640x8xf32>, vector<640x8xf32>, vector<640x8xf32>, vector<640x8xf32>, vector<640x8xf32>, vector<640x8xf32>, vector<640x8xf32>, vector<640x8xf32>, vector<640x8xf32>, vector<640x8xf32>, vector<640x8xf32>, vector<640x8xf32>, vector<640x8xf32>, vector<640x8xf32> -> vector<10240x8xf32>
    %iota3A = tpu.iota {dimensions = array<i32: 0>} : vector<10240x8xi32>
    %rem3A = arith.constant 640 : i32
    %rem3A_42 = vector.broadcast %rem3A : i32 to vector<10240x8xi32>
    %rem3A_43 = arith.remsi %iota3A, %rem3A_42 : vector<10240x8xi32>
    %lt3A = arith.constant 625 : i32
    %lt3A_44 = vector.broadcast %lt3A : i32 to vector<10240x8xi32>
    %lt3A_45 = arith.cmpi slt, %rem3A_43, %lt3A_44 : vector<10240x8xi32>
    %jit3A = arith.constant 0.000000e+00 : f32
    %broadcast_in_dim3A = vector.broadcast %jit3A : f32 to vector<10240x8xf32>
    %select_n3A = arith.select %lt3A_45, %concatenate3A, %broadcast_in_dim3A : vector<10240x8xi1>, vector<10240x8xf32>
    %iota3A_46 = tpu.iota {dimensions = array<i32: 1>} : vector<10240x8xi32>
    %lt3A_47 = arith.constant 3 : i32
    %lt3A_48 = vector.broadcast %lt3A_47 : i32 to vector<10240x8xi32>
    %lt3A_49 = arith.cmpi slt, %iota3A_46, %lt3A_48 : vector<10240x8xi32>
    %jit3A_50 = arith.constant 0xFF800000 : f32
    %broadcast_in_dim3A_51 = vector.broadcast %jit3A_50 : f32 to vector<10240x8xf32>
    %select_n3A_52 = arith.select %lt3A_49, %select_n3A, %broadcast_in_dim3A_51 : vector<10240x8xi1>, vector<10240x8xf32>
    %reduce_max3A = arith.constant dense<0xFF800000> : vector<10240xf32>
    %reduce_max3A_53 = vector.multi_reduction <maximumf>, %select_n3A_52, %reduce_max3A [1] : vector<10240x8xf32> to vector<10240xf32>
    %broadcast_in_dim3A_54 = vector.shape_cast %reduce_max3A_53 : vector<10240xf32> to vector<10240x1xf32>
    %sub3A_55 = vector.broadcast %broadcast_in_dim3A_54 : vector<10240x1xf32> to vector<10240x8xf32>
    %sub3A_56 = arith.subf %select_n3A, %sub3A_55 : vector<10240x8xf32>
    %exp3A = math.exp %sub3A_56 : vector<10240x8xf32>
    %jit3A_57 = arith.constant 0.000000e+00 : f32
    %broadcast_in_dim3A_58 = vector.broadcast %jit3A_57 : f32 to vector<10240x8xf32>
    %select_n3A_59 = arith.select %lt3A_49, %exp3A, %broadcast_in_dim3A_58 : vector<10240x8xi1>, vector<10240x8xf32>
    %sub3A_60 = vector.broadcast %broadcast_in_dim3A_54 : vector<10240x1xf32> to vector<10240x8xf32>
    %sub3A_61 = arith.subf %select_n3A, %sub3A_60 : vector<10240x8xf32>
    %reduce_sum3A = arith.constant dense<0.000000e+00> : vector<10240xf32>
    %reduce_sum3A_62 = vector.multi_reduction <add>, %select_n3A_59, %reduce_sum3A [1] : vector<10240x8xf32> to vector<10240xf32>
    %broadcast_in_dim3A_63 = vector.shape_cast %reduce_sum3A_62 : vector<10240xf32> to vector<10240x1xf32>
    %log3A = math.log %broadcast_in_dim3A_63 : vector<10240x1xf32>
    %sub3A_64 = vector.broadcast %log3A : vector<10240x1xf32> to vector<10240x8xf32>
    %sub3A_65 = arith.subf %sub3A_61, %sub3A_64 : vector<10240x8xf32>
    %eq3A = arith.constant 3 : i32
    %eq3A_66 = vector.broadcast %eq3A : i32 to vector<10240x8xi32>
    %eq3A_67 = arith.cmpi eq, %iota3A_46, %eq3A_66 : vector<10240x8xi32>
    %jit3A_68 = arith.constant 1.000000e+00 : f32
    %jit3A_69 = arith.constant 0.000000e+00 : f32
    %broadcast_in_dim3A_70 = vector.broadcast %jit3A_68 : f32 to vector<10240x8xf32>
    %broadcast_in_dim3A_71 = vector.broadcast %jit3A_69 : f32 to vector<10240x8xf32>
    %select_n3A_72 = arith.select %eq3A_67, %broadcast_in_dim3A_70, %broadcast_in_dim3A_71 : vector<10240x8xi1>, vector<10240x8xf32>
    %select_n3A_73 = arith.select %lt3A_49, %sub3A_65, %select_n3A_72 : vector<10240x8xi1>, vector<10240x8xf32>
    %get3A_74 = arith.constant 0 : index
    %get3A_75 = arith.constant 0 : index
    %get3A_76 = vector.load %arg2[%get3A_74, %get3A_75] : memref<1x10240xi32, #tpu.memory_space<vmem>>, vector<1x10240xi32>
    %iota3A_77 = tpu.iota {dimensions = array<i32: 0>} : vector<64x10240xi32>
    %eq3A_78 = vector.broadcast %get3A_76 : vector<1x10240xi32> to vector<64x10240xi32>
    %eq3A_79 = arith.cmpi eq, %eq3A_78, %iota3A_77 : vector<64x10240xi32>
    %convert_element_type3A = arith.extui %eq3A_79 : vector<64x10240xi1> to vector<64x10240xi32>
    %convert_element_type3A_80 = arith.sitofp %convert_element_type3A : vector<64x10240xi32> to vector<64x10240xf32>
    %convert_element_type3A_81 = arith.truncf %convert_element_type3A_80 : vector<64x10240xf32> to vector<64x10240xbf16>
    %convert_element_type3A_82 = arith.truncf %select_n3A_73 : vector<10240x8xf32> to vector<10240x8xbf16>
    %dot_general3A = arith.constant dense<0.000000e+00> : vector<64x8xf32>
    %dot_general3A_83 = tpu.matmul %convert_element_type3A_81, %convert_element_type3A_82, %dot_general3A {dimension_numbers = #tpu.dot_dimension_numbers<[1], [0], [0], [1], [0, 0, 1, 1], [], []>, transpose_lhs_hint = false} : vector<64x10240xbf16>, vector<10240x8xbf16>, vector<64x8xf32> -> vector<64x8xf32>
    %iota3A_84 = tpu.iota {dimensions = array<i32: 1>} : vector<64x8xi32>
    %eq3A_85 = arith.constant 3 : i32
    %eq3A_86 = vector.broadcast %eq3A_85 : i32 to vector<64x8xi32>
    %eq3A_87 = arith.cmpi eq, %iota3A_84, %eq3A_86 : vector<64x8xi32>
    %jit3A_88 = arith.constant 0.000000e+00 : f32
    %broadcast_in_dim3A_89 = vector.broadcast %jit3A_88 : f32 to vector<64x8xf32>
    %select_n3A_90 = arith.select %eq3A_87, %dot_general3A_83, %broadcast_in_dim3A_89 : vector<64x8xi1>, vector<64x8xf32>
    %reduce_sum3A_91 = arith.constant dense<0.000000e+00> : vector<64xf32>
    %reduce_sum3A_92 = vector.multi_reduction <add>, %select_n3A_90, %reduce_sum3A_91 [1] : vector<64x8xf32> to vector<64xf32>
    %broadcast_in_dim3A_93 = vector.shape_cast %reduce_sum3A_92 : vector<64xf32> to vector<64x1xf32>
    %max3A = arith.constant 1.000000e+00 : f32
    %max3A_94 = vector.broadcast %max3A : f32 to vector<64x1xf32>
    %max3A_95 = arith.maximumf %broadcast_in_dim3A_93, %max3A_94 : vector<64x1xf32>
    %div3A_96 = vector.broadcast %max3A_95 : vector<64x1xf32> to vector<64x8xf32>
    %div3A_97 = arith.divf %dot_general3A_83, %div3A_96 : vector<64x8xf32>
    %mul3A_98 = vector.broadcast %div3A_5 : f32 to vector<64x8xf32>
    %mul3A_99 = arith.mulf %div3A_97, %mul3A_98 : vector<64x8xf32>
    %lt3A_100 = arith.constant 3 : i32
    %lt3A_101 = vector.broadcast %lt3A_100 : i32 to vector<64x8xi32>
    %lt3A_102 = arith.cmpi slt, %iota3A_84, %lt3A_101 : vector<64x8xi32>
    %jit3A_103 = arith.constant 0xFF800000 : f32
    %broadcast_in_dim3A_104 = vector.broadcast %jit3A_103 : f32 to vector<64x8xf32>
    %select_n3A_105 = arith.select %lt3A_102, %mul3A_99, %broadcast_in_dim3A_104 : vector<64x8xi1>, vector<64x8xf32>
    %reduce_max3A_106 = arith.constant dense<0xFF800000> : vector<64xf32>
    %reduce_max3A_107 = vector.multi_reduction <maximumf>, %select_n3A_105, %reduce_max3A_106 [1] : vector<64x8xf32> to vector<64xf32>
    %broadcast_in_dim3A_108 = vector.shape_cast %reduce_max3A_107 : vector<64xf32> to vector<64x1xf32>
    %sub3A_109 = vector.broadcast %broadcast_in_dim3A_108 : vector<64x1xf32> to vector<64x8xf32>
    %sub3A_110 = arith.subf %mul3A_99, %sub3A_109 : vector<64x8xf32>
    %exp3A_111 = math.exp %sub3A_110 : vector<64x8xf32>
    %jit3A_112 = arith.constant 0.000000e+00 : f32
    %broadcast_in_dim3A_113 = vector.broadcast %jit3A_112 : f32 to vector<64x8xf32>
    %select_n3A_114 = arith.select %lt3A_102, %exp3A_111, %broadcast_in_dim3A_113 : vector<64x8xi1>, vector<64x8xf32>
    %sub3A_115 = vector.broadcast %broadcast_in_dim3A_108 : vector<64x1xf32> to vector<64x8xf32>
    %sub3A_116 = arith.subf %mul3A_99, %sub3A_115 : vector<64x8xf32>
    %reduce_sum3A_117 = arith.constant dense<0.000000e+00> : vector<64xf32>
    %reduce_sum3A_118 = vector.multi_reduction <add>, %select_n3A_114, %reduce_sum3A_117 [1] : vector<64x8xf32> to vector<64xf32>
    %broadcast_in_dim3A_119 = vector.shape_cast %reduce_sum3A_118 : vector<64xf32> to vector<64x1xf32>
    %log3A_120 = math.log %broadcast_in_dim3A_119 : vector<64x1xf32>
    %sub3A_121 = vector.broadcast %log3A_120 : vector<64x1xf32> to vector<64x8xf32>
    %sub3A_122 = arith.subf %sub3A_116, %sub3A_121 : vector<64x8xf32>
    %slice3A_123 = vector.extract_strided_slice %sub3A_122 {offsets = [0, 0], sizes = [64, 3], strides = [1, 1]} : vector<64x8xf32> to vector<64x3xf32>
    %swap3A = arith.constant 0 : index
    %swap3A_124 = arith.constant 0 : index
    %swap3A_125 = vector.load %arg6[%swap3A, %swap3A_124] : memref<64x3xf32, #tpu.memory_space<vmem>>, vector<64x3xf32>
    tpu.vector_store %arg6[%swap3A, %swap3A_124], %slice3A_123 {strides = array<i32>} : memref<64x3xf32, #tpu.memory_space<vmem>>, vector<64x3xf32>,
    return
  }
}

</mosaic_0001>

<sc_bundles>
// kernel: kernel.5.cloned.1.call-start
scs
__scs_entry_jumppad:
0x0: {  	(pc) =	sbr.rel $0x88, $3  }
0x1: {  	(tag) =	ssettag $0x0;
	lr =	simm.s32 $0x1  }
0x2: {  	[smem:$0x3F98] =	sst lr;
	_ =	strace $0xD0000000  }
0x3: {  	_ = 	snop  }
0x4: {  	_ = 	snop  }
0x5: {  	_ = 	snop  }
0x6: {  	_ = 	snop  }
0x7: {  	_ = 	snop  }
__scs_overlays_trampoline_lowered:
0x8: {  	[smem:$0x3FA7] =	sst s0  }
0x9: {  	[smem:$0x3FA8] =	sst s1  }
0xa: {  	[smem:$0x3FA9] =	sst s2  }
0xb: {  	[smem:$0x3FAA] =	sst s3  }
0xc: {  	[smem:$0x3FAB] =	sst s4  }
0xd: {  	[smem:$0x3FAC] =	sst s5  }
0xe: {  	[smem:$0x3FAD] =	sst s6  }
0xf: {  	[smem:$0x3FAE] =	sst s7  }
0x10: {  	[smem:$0x3FAF] =	sst s8  }
0x11: {  	[smem:$0x3FB0] =	sst s9;
	s0 =	simm.s32 @!p0 $0x0  }
0x12: {  	s1 =	sld [smem:$0x3F96];
	s0 =	simm.s32 @p0 $0x1  }
0x13: {  	[smem:$0x3FB1] =	sst s0;
	s0 =	simm.s32 @!p1 $0x0  }
0x14: {  	s2 =	sld [smem:$0x3F95];
	s0 =	simm.s32 @p1 $0x1  }
0x15: {  	[smem:$0x3FB2] =	sst s0;
	s0 =	simm.s32 @!p2 $0x0  }
0x16: {  	s3 =	sld [smem:$0x3FDB];
	s0 =	simm.s32 @p2 $0x1  }
0x17: {  	s4 =	simm.s32 $0x1BF5;
	[smem:$0x3FB4] =	sst s0  }
0x18: {  	s0 =	sld [smem:$0x3F97];
	_ =	swait.ge [sflag:s4], $0x0  }
0x19: {  	s7 =	sld [smem:$0x3F98]  }
0x1a: {  	s8 =	sadd.s32 $0xFFFFE003, lr  }
0x1b: {  	s9 =	sadd.s32 $0xFFFFFEF7, lr;
	s5 =	simm.s32 $0xFFFFFFFF;
	p2 =	slt.u32 s8, $0xFFFFF086  }
0x1c: {  	p1 =	slt.u32 s9, $0xF7A;
	s5 =	simm.s32 @!p2 $0x0  }
0x1d: {  	s5 =	simm.s32 @p1 $0x1;
	p0 =	seq.s32 s7, s2  }
0x1e: {  	s7 =	smul.u32 @!p0 $0xF7A, s2;
	p2 =	seq.s32 @!p0 s5, $0x0  }
0x1f: {  	s9 =	smul.u32 $0xF7A, s1;
	s8 =	simm.s32 @!p0 $0x1BF5;
	p2 =	por !p2, p0  }
0x20: {  	[sflag:s8] =	ssyncset.s32 @!p0 $0xFFFFF086;
	s6 =	sadd.s32 @!p0 s3, s7;
	s7 =	simm.s32 @!p0 $0x108  }
0x21: {  	s3 =	sadd.s32 s3, s9;
	s6 =	sadd.s32 @!p0 $0x88, s6;
	s7 =	simm.s32 @p2 $0x1082  }
0x22: {  	[simem:s7], [sflag:s8] =	dma.local @!p0 [hbm:s6], $0xF7A  }
0x23: {  	s9 =	sor.u32 $0xD0000000, s2;
	s6 =	simm.s32 $0x108;
	_ =	swait.ge @!p0 [sflag:s8], $0x0  }
0x24: {  	s3 =	sadd.s32 $0x88, s3;
	s6 =	simm.s32 @!p1 $0x1082;
	[sflag:s4] =	ssyncset.s32 $0xFFFFF086  }
0x25: {  	[simem:s6], [sflag:s4] =	dma.local [hbm:s3], $0xF7A  }
0x26: {  	[smem:$0x3F98] =	sst s1;
	(tag) =	ssettag s2;
	_ =	strace s9  }
0x27: {  	s1 =	sld [smem:$0x3FA8]  }
0x28: {  	s2 =	sld [smem:$0x3FA9]  }
0x29: {  	s4 =	sld [smem:$0x3FAB]  }
0x2a: {  	p0 =	seq.s32 s5, $0x0;
	s5 =	sld [smem:$0x3FAC]  }
0x2b: {  	s6 =	sld [smem:$0x3FAD]  }
0x2c: {  	s7 =	sld [smem:$0x3FAE]  }
0x2d: {  	s3 =	simm.s32 $0x108;
	s8 =	sld [smem:$0x3FAF]  }
0x2e: {  	s3 =	simm.s32 @!p0 $0x1082;
	s9 =	sld [smem:$0x3FB0]  }
0x2f: {  	lr =	sadd.s32 s0, s3;
	s0 =	sld [smem:$0x3FA7]  }
0x30: {  	s3 =	sld [smem:$0x3FAA]  }
0x31: {  	[smem:$0x3FB3] =	sst s10  }
0x32: {  	s10 =	sld [smem:$0x3FB1];
	_ =	sdelay $0x3  }
0x33: {  	p0 =	seq.s32 s10, $0x1;
	s10 =	sld [smem:$0x3FB3];
	_ =	sdelay $0x3  }
0x34: {  	[smem:$0x3FB3] =	sst s10  }
0x35: {  	s10 =	sld [smem:$0x3FB2];
	_ =	sdelay $0x3  }
0x36: {  	p1 =	seq.s32 s10, $0x1;
	s10 =	sld [smem:$0x3FB3];
	_ =	sdelay $0x3  }
0x37: {  	[smem:$0x3FB3] =	sst s10  }
0x38: {  	s10 =	sld [smem:$0x3FB4]  }
0x39: {  	_ = 	snop;
	(pc) =	sbr.ind lr, $3  }
0x3a: {  	_ = 	snop  }
0x3b: {  	_ = 	snop  }
0x3c: {  	p2 =	seq.s32 s10, $0x1;
	s10 =	sld [smem:$0x3FB3]  }
0x3d: {  	_ =	shalt  }
0x3e: {  	_ =	shalt  }
0x3f: {  	_ =	shalt  }
0x40: {  	_ =	shalt  }
0x41: {  	_ =	shalt  }
0x42: {  	_ =	shalt  }
0x43: {  	_ =	shalt  }
0x44: {  	_ =	shalt  }
0x45: {  	_ =	shalt  }
0x46: {  	_ =	shalt  }
0x47: {  	_ =	shalt  }
0x48: {  	_ =	shalt  }
0x49: {  	_ =	shalt  }
0x4a: {  	_ =	shalt  }
0x4b: {  	_ =	shalt  }
0x4c: {  	_ =	shalt  }
0x4d: {  	_ =	shalt  }
0x4e: {  	_ =	shalt  }
0x4f: {  	_ =	shalt  }
0x50: {  	_ =	shalt  }
0x51: {  	_ =	shalt  }
0x52: {  	_ =	shalt  }
0x53: {  	_ =	shalt  }
0x54: {  	_ =	shalt  }
0x55: {  	_ =	shalt  }
0x56: {  	_ =	shalt  }
0x57: {  	_ =	shalt  }
0x58: {  	_ =	shalt  }
0x59: {  	_ =	shalt  }
0x5a: {  	_ =	shalt  }
0x5b: {  	_ =	shalt  }
0x5c: {  	_ =	shalt  }
0x5d: {  	_ =	shalt  }
0x5e: {  	_ =	shalt  }
0x5f: {  	_ =	shalt  }
0x60: {  	_ =	shalt  }
0x61: {  	_ =	shalt  }
0x62: {  	_ =	shalt  }
0x63: {  	_ =	shalt  }
0x64: {  	_ =	shalt  }
0x65: {  	_ =	shalt  }
0x66: {  	_ =	shalt  }
0x67: {  	_ =	shalt  }
0x68: {  	_ =	shalt  }
0x69: {  	_ =	shalt  }
0x6a: {  	_ =	shalt  }
0x6b: {  	_ =	shalt  }
0x6c: {  	_ =	shalt  }
0x6d: {  	_ =	shalt  }
0x6e: {  	_ =	shalt  }
0x6f: {  	_ =	shalt  }
0x70: {  	_ =	shalt  }
0x71: {  	_ =	shalt  }
0x72: {  	_ =	shalt  }
0x73: {  	_ =	shalt  }
0x74: {  	_ =	shalt  }
0x75: {  	_ =	shalt  }
0x76: {  	_ =	shalt  }
0x77: {  	_ =	shalt  }
0x78: {  	_ =	shalt  }
0x79: {  	_ =	shalt  }
0x7a: {  	_ =	shalt  }
0x7b: {  	_ =	shalt  }
0x7c: {  	_ =	shalt  }
0x7d: {  	_ =	shalt  }
0x7e: {  	_ =	shalt  }
0x7f: {  	_ =	shalt  }
0x80: {  	_ =	shalt  }
0x81: {  	_ =	shalt  }
0x82: {  	_ =	shalt  }
0x83: {  	_ =	shalt  }
0x84: {  	_ =	shalt  }
0x85: {  	_ =	shalt  }
0x86: {  	_ =	shalt  }
0x87: {  	_ =	shalt  }
.Lfunc_end0:
.L_simem_size_0:
called_computation_lowered:
.L_overlay_start_0:
0x88: {  	s2 =	sld [smem:$0x3FD9]  }
0x89: {  	s3 =	sld [smem:$0x3FFE];
	_ =	sdelay $0x1  }
0x8a: {  	s1 =	srdreg.scid  }
0x8b: {  	s0 =	sand.u32 $0x1, s1  }
0x8c: {  	s16 =	sshll.u32 s0, $0xA;
	s2 =	sadd.s32 s3, s2  }
0x8d: {  	s2 =	sadd.s32 s2, s16  }
0x8e: {  	[smem:$0x3FBF] =	sst s2  }
0x8f: {  	_ = 	snop  }
0x90: {  	(tm) =	ssettm $0x1  }
0x91: {  	s17 =	sld [smem:$0x3FFB];
	_ =	sdelay $0x3  }
0x92: {  	_ =	strace s17  }
0x93: {  	s2 =	sld [smem:$0x3FFC];
	_ =	sdelay $0x3  }
0x94: {  	_ =	strace s2  }
0x95: {  	s2 =	sld [smem:$0x3FFD];
	_ =	sdelay $0x3  }
0x96: {  	_ =	strace s2  }
0x97: {  	_ =	strace $0x8FFFFFFF  }
0x98: {  	s18 =	sld [smem:$0x3FDB];
	_ =	sdelay $0x1  }
0x99: {  	s19 =	simm.s32 $_scs_section_size  }
0x9a: {  	s4 =	simm.s32 $_size__tile_overlayer_lowered;
	s5 =	simm.s32 $_tile_overlayer_lowered  }
0x9b: {  	s22 =	simm.s32 $0x1BFF;
	s21 =	sshll.u32 s5, $0x1;
	s2 =	sadd.s32 s19, s18  }
0x9c: {  	s6 =	simm.s32 $0x0;
	s20 =	sshll.u32 s4, $0x1;
	s4 =	sadd.s32 s21, s2  }
0x9d: {  	[timem:s6], [sflag:s22] =	dma.local [hbm:s4], s20  }
0x9e: {  	_ =	swait.ge [sflag:s22], s20  }
0x9f: {  	s3 =	ssub.s32 $0x0, s20;
	[sflag:s22] =	ssyncset.done $0x0  }
0xa0: {  	[sflag:s22] =	ssyncadd.s32 s3;
	_ =	sdelay $0x1  }
0xa1: {  	s23 =	simm.s32 $0x1B8B  }
0xa2: {  	_ =	swait.ge [sflag:s23], $0x1  }
0xa3: {  	[sflag:s23] =	ssyncset.done $0x0  }
0xa4: {  	s25 =	simm.s32 $0x1B8E;
	s24 =	sld [smem:$0x3FFE];
	[sflag:s23] =	ssyncadd.s32 $0xFFFFFFFF  }
0xa5: {  	s26 =	simm.s32 $execute0_lowered;
	[smem:$0x3FD2] =	sst s25  }
0xa6: {  	s4 =	sshll.u32 s26, $0x1;
	_ =	strace $0x80000046;
	[dreg:$0x1] =	wrdreg $0xFFFFFFFF  }
0xa7: {  	s28 =	simm.s32 $_size_execute0_lowered;
	s2 =	sadd.s32 s2, s4;
	[dreg:$0x0] =	wrdreg $0x0  }
0xa8: {  	s4 =	sshll.u32 s28, $0x1;
	[dreg:$0x2] =	wrdreg s2  }
0xa9: {  	[dreg:$0x3] =	wrdreg s4  }
0xaa: {  	[dreg:$0x4] =	wrdreg $0xC0  }
0xab: {  	_ =	task [dreg:s6], $0x5FFFF  }
0xac: {  	[dreg:$0x1] =	wrdreg $0xFFFFFFFF  }
0xad: {  	[dreg:$0x0] =	wrdreg $0x60  }
0xae: {  	[dreg:$0x2] =	wrdreg s24  }
0xaf: {  	[dreg:$0x3] =	wrdreg $0x68000  }
0xb0: {  	[dreg:$0x4] =	wrdreg $0x7C000  }
0xb1: {  	[dreg:$0x5] =	wrdreg $0x9  }
0xb2: {  	_ =	task.clear_ibuf [dreg:s6], $0x6FFFF;
	_ =	strace $0x90000046  }
0xb3: {  	s29 =	simm.s32 $0x9;
	_ =	strace $0x80000048  }
0xb4: {  	_ =	swait.ge [sflag:s29], $0x1  }
0xb5: {  	[sflag:s29] =	ssyncadd.s32 $0xFFFFFFFF  }
0xb6: {  	_ =	strace $0x90000048  }
0xb7: {  	_ =	sfence  }
0xb8: {  	s30 =	sld [smem:$0x0];
	_ =	sdelay $0x2  }
0xb9: {  	s31 =	sshll.u32 s1, $0xD;
	s1 =	sshrl.u32 s1, $0x2  }
0xba: {  	s3 =	sand.u32 $0x4000, s31;
	s1 =	sadd.s32 s1, s30  }
0xbb: {  	s0 =	sor.u32 s3, s0;
	s1 =	sshll.u32 s1, $0x11  }
0xbc: {  	s0 =	sor.u32 s1, s0  }
0xbd: {  	s0 =	sadd.s32 $0x8F2B, s0  }
0xbe: {  	[sflag:s0] =	ssyncadd.remote.s32 $0x1  }
0xbf: {  	_ =	sfence.sel $0xFFFF  }
0xc0: {  	[dreg:$0x0] =	wrdreg $0xFFFFFFFF;
	(pc) =	sbr.abs _section_cstart, $3  }
0xc1: {  	[dreg:$0x1] =	wrdreg $0xFFFFFFFF  }
0xc2: {  	_ =	task.clear_ibuf [dreg:s6], $0x2FFFF;
	_ =	strace $0x9FFFFFFF  }
0xc3: {  	(tm) =	ssettm $0x7FFFFFFF  }
tec
execute0_lowered:
.L_overlay_start_1:
0x0: {  	(tag) =	ssettag $0x1  }
0x1: {  	s5 =	rddreg [dreg:$0x0]  }
0x2: {  	s2 =	rddreg [dreg:$0x1]  }
0x3: {  	s3 =	rddreg [dreg:$0x2];
	s0 =	stileid.u32  }
0x4: {  	s4 =	srdreg.scid;
	s16 =	simm.s32 $0x80;
	s17 =	simm.s32 $0x2  }
0x5: {  	s18 =	simm.s32 $0x3;
	s19 =	simm.s32 $0x0;
	s8 =	smul.u32 $0x1400, s0  }
0x6: {  	s6 =	sand.u32 $0x1, s4;
	s7 =	sshll.u32 s0, $0x1;
	s4 =	simm.s32 $0x0  }
0x7: {  	s7 =	sor.u32 s6, s7;
	s9 =	smul.u32 $0x14000, s6;
	[smem:$0x7FF] =	sst s4  }
0x8: {  	s6 =	ssub.s32 $0x2, s6;
	s10 =	sshrl.u32 s8, $0x3;
	s7 =	smul.u32 $0x1400, s7  }
0x9: {  	_ =	strace $0x80000047;
	s31 =	sshrl.u32 s6, $0x1;
	s14 =	sadd.s32 s8, s2  }
0xa: {  	s15 =	sadd.s32 s8, s3;
	s10 =	sadd.s32 s10, s5;
	s9 =	sadd.s32 s8, s9  }
0xb: {  	s13 =	ssub.s32 s6, s31;
	s7 =	sshrl.u32 s7, $0x3;
	s9 =	sshrl.u32 s9, $0x3  }
0xc: {  	s11 =	sadd.s32 s7, s5;
	s12 =	sadd.s32 s9, s5;
	s5 =	sshll.u32 s0, $0x6  }
0xd: {  	s6 =	sadd.s32 $0x1000, s10;
	s7 =	sor.u32 $0x1C01, s5;
	s8 =	sadd.s32 $0x3800, s11  }
0xe: {  	s9 =	sadd.s32 $0x8800, s11;
	s10 =	sadd.s32 $0xD800, s12;
	s11 =	smax.u32 s13, $0x1  }
0xf: {  	s12 =	sshrl.u32 s14, $0x3;
	s13 =	sshrl.u32 s15, $0x3;
	s15 =	simm.s32 $0x1  }
.LBB2_1:
0x10: {  	[spmem:s12], [sflag:s7] =	dma.local [hbm:s6], $0x280  }
0x11: {  	[spmem:s13], [sflag:s7] =	dma.local [hbm:s6], $0x280  }
0x12: {  	[tilespmem:s4], [sflag:$0x1] =	stream.linear.gather [hbm4b:s8+s4], $0x1400, $0x38;
	[tilespmem:$0x9000] =	vst v63  }
0x13: {  	s0 =	simm.s32 $0x1400  }
0x14: {  	[tilespmem:s0], [sflag:$0x1] =	stream.linear.gather [hbm4b:s9+s4], $0x1400, $0x38;
	[tilespmem:$0x9000] =	vst v63  }
0x15: {  	_ =	swait.ge [sflag:s15], $0x280  }
0x16: {  	[sflag:s15] =	ssyncset.done $0x0  }
0x17: {  	[sflag:s15] =	ssyncadd.s32 $0xFFFFFD80  }
0x18: {  	_ =	swait.ge [sflag:s15], $0x280  }
0x19: {  	[sflag:s15] =	ssyncset.done $0x0  }
0x1a: {  	[sflag:s15] =	ssyncadd.s32 $0xFFFFFD80  }
0x1b: {  	_ =	swait.ge [sflag:s15], $0x1400  }
0x1c: {  	[sflag:s15] =	ssyncset.done $0x0  }
0x1d: {  	[sflag:s15] =	ssyncadd.s32 $0xFFFFEC00  }
0x1e: {  	_ =	swait.ge [sflag:s15], $0x1400  }
0x1f: {  	[sflag:s15] =	ssyncset.done $0x0  }
0x20: {  	p0 =	por $0x1, $0x1;
	[sflag:s15] =	ssyncadd.s32 $0xFFFFEC00  }
0x21: {  	s20 =	simm.s32 @!p0 $0x2;
	[bflag:$0x0] =	sbarrier.arrive $0xFFFF  }
0x22: {  	_ =	swait.ge @!p0 [sflag:s20], $0x400  }
0x23: {  	[sflag:s20] =	ssyncset.done @!p0 $0x0  }
0x24: {  	[sflag:s20] =	ssyncadd.s32 @!p0 $0xFFFFFC00  }
0x25: {  	_ =	swait.ge @!p0 [sflag:s20], $0x400  }
0x26: {  	[sflag:s20] =	ssyncset.done @!p0 $0x0  }
0x27: {  	[sflag:s20] =	ssyncadd.s32 @!p0 $0xFFFFFC00  }
0x28: {  	_ =	swait.ge @!p0 [sflag:s20], $0x400  }
0x29: {  	[sflag:s20] =	ssyncset.done @!p0 $0x0  }
0x2a: {  	[sflag:s20] =	ssyncadd.s32 @!p0 $0xFFFFFC00  }
0x2b: {  	_ =	swait.ge @!p0 [sflag:s20], $0x400  }
0x2c: {  	[sflag:s20] =	ssyncset.done @!p0 $0x0  }
0x2d: {  	[sflag:s20] =	ssyncadd.s32 @!p0 $0xFFFFFC00  }
0x2e: {  	_ =	swait.ge @!p0 [sflag:s20], $0x400  }
0x2f: {  	[sflag:s20] =	ssyncset.done @!p0 $0x0  }
0x30: {  	[sflag:s20] =	ssyncadd.s32 @!p0 $0xFFFFFC00  }
0x31: {  	_ =	swait.ge @!p0 [sflag:s20], $0x400  }
0x32: {  	[sflag:s20] =	ssyncset.done @!p0 $0x0  }
0x33: {  	[sflag:s20] =	ssyncadd.s32 @!p0 $0xFFFFFC00  }
0x34: {  	_ =	swait.ge @!p0 [sflag:s20], $0x400  }
0x35: {  	[sflag:s20] =	ssyncset.done @!p0 $0x0  }
0x36: {  	[sflag:s20] =	ssyncadd.s32 @!p0 $0xFFFFFC00  }
0x37: {  	s21 =	sand.u32 $0x8000, s4;
	_ =	swait.ge @!p0 [sflag:s20], $0x400  }
0x38: {  	s21 =	sshrl.u32 s21, $0x2;
	[sflag:s20] =	ssyncset.done @!p0 $0x0  }
0x39: {  	s22 =	simm.s32 $0x0;
	[sflag:s20] =	ssyncadd.s32 @!p0 $0xFFFFFC00;
	s20 =	sadd.s32 $0x2800, s21  }
0x3a: {  	[tilespmem:s20], [sflag:$0x1] =	stream.indirect.gather [spmem:s2], $0x8, s22, s16, $0xb8;
	[tilespmem:$0x9000] =	vst v63  }
0x3b: {  	s23 =	simm.s32 $0x80;
	s22 =	sadd.s32 $0x2C00, s21  }
0x3c: {  	[tilespmem:s22], [sflag:$0x1] =	stream.indirect.gather [spmem:s2], $0x8, s23, s16, $0xb8;
	[tilespmem:$0x9000] =	vst v63  }
0x3d: {  	s24 =	simm.s32 $0x100;
	s23 =	sadd.s32 $0x3000, s21  }
0x3e: {  	[tilespmem:s23], [sflag:$0x1] =	stream.indirect.gather [spmem:s2], $0x8, s24, s16, $0xb8;
	[tilespmem:$0x9000] =	vst v63  }
0x3f: {  	s29 =	simm.s32 $0x180;
	s25 =	sadd.s32 $0x3400, s21  }
0x40: {  	[tilespmem:s25], [sflag:$0x1] =	stream.indirect.gather [spmem:s2], $0x8, s29, s16, $0xb8;
	[tilespmem:$0x9000] =	vst v63  }
0x41: {  	s30 =	simm.s32 $0x200;
	s26 =	sadd.s32 $0x3800, s21  }
0x42: {  	[tilespmem:s26], [sflag:$0x1] =	stream.indirect.gather [spmem:s2], $0x8, s30, s16, $0xb8;
	[tilespmem:$0x9000] =	vst v63  }
0x43: {  	s31 =	simm.s32 $0x280;
	s28 =	sadd.s32 $0x3C00, s21  }
0x44: {  	[tilespmem:s28], [sflag:$0x1] =	stream.indirect.gather [spmem:s2], $0x8, s31, s16, $0xb8;
	[tilespmem:$0x9000] =	vst v63  }
0x45: {  	s0 =	simm.s32 $0x300;
	s29 =	sor.u32 $0x4000, s21  }
0x46: {  	[tilespmem:s29], [sflag:$0x1] =	stream.indirect.gather [spmem:s2], $0x8, s0, s16, $0xb8;
	[tilespmem:$0x9000] =	vst v63  }
0x47: {  	s1 =	simm.s32 $0x380;
	s24 =	sadd.s32 $0x4400, s21  }
0x48: {  	[tilespmem:s24], [sflag:$0x1] =	stream.indirect.gather [spmem:s2], $0x8, s1, s16, $0xb8;
	[tilespmem:$0x9000] =	vst v63  }
0x49: {  	_ =	swait.ge [sflag:s15], $0x400  }
0x4a: {  	[sflag:s15] =	ssyncset.done $0x0  }
0x4b: {  	s14 =	simm.s32 $0x1400;
	[sflag:s15] =	ssyncadd.s32 $0xFFFFFC00  }
0x4c: {  	[spmem:s3] =	stream.indirect.scatter.add.f32 [tilespmem:s20], [sflag:$0x2], $0x8, s14, s16, $0xb8;
	[tilespmem:$0x9000] =	vst v63  }
0x4d: {  	_ =	swait.ge [sflag:s15], $0x400  }
0x4e: {  	[sflag:s15] =	ssyncset.done $0x0  }
0x4f: {  	s21 =	simm.s32 $0x1480;
	[sflag:s15] =	ssyncadd.s32 $0xFFFFFC00  }
0x50: {  	[spmem:s3] =	stream.indirect.scatter.add.f32 [tilespmem:s22], [sflag:$0x2], $0x8, s21, s16, $0xb8;
	[tilespmem:$0x9000] =	vst v63  }
0x51: {  	_ =	swait.ge [sflag:s15], $0x400  }
0x52: {  	[sflag:s15] =	ssyncset.done $0x0  }
0x53: {  	s22 =	simm.s32 $0x1500;
	[sflag:s15] =	ssyncadd.s32 $0xFFFFFC00  }
0x54: {  	[spmem:s3] =	stream.indirect.scatter.add.f32 [tilespmem:s23], [sflag:$0x2], $0x8, s22, s16, $0xb8;
	[tilespmem:$0x9000] =	vst v63  }
0x55: {  	_ =	swait.ge [sflag:s15], $0x400  }
0x56: {  	[sflag:s15] =	ssyncset.done $0x0  }
0x57: {  	s23 =	simm.s32 $0x1580;
	[sflag:s15] =	ssyncadd.s32 $0xFFFFFC00  }
0x58: {  	[spmem:s3] =	stream.indirect.scatter.add.f32 [tilespmem:s25], [sflag:$0x2], $0x8, s23, s16, $0xb8;
	[tilespmem:$0x9000] =	vst v63  }
0x59: {  	_ =	swait.ge [sflag:s15], $0x400  }
0x5a: {  	[sflag:s15] =	ssyncset.done $0x0  }
0x5b: {  	s25 =	simm.s32 $0x1600;
	[sflag:s15] =	ssyncadd.s32 $0xFFFFFC00  }
0x5c: {  	[spmem:s3] =	stream.indirect.scatter.add.f32 [tilespmem:s26], [sflag:$0x2], $0x8, s25, s16, $0xb8;
	[tilespmem:$0x9000] =	vst v63  }
0x5d: {  	_ =	swait.ge [sflag:s15], $0x400  }
0x5e: {  	[sflag:s15] =	ssyncset.done $0x0  }
0x5f: {  	s30 =	simm.s32 $0x1680;
	[sflag:s15] =	ssyncadd.s32 $0xFFFFFC00  }
0x60: {  	[spmem:s3] =	stream.indirect.scatter.add.f32 [tilespmem:s28], [sflag:$0x2], $0x8, s30, s16, $0xb8;
	[tilespmem:$0x9000] =	vst v63  }
0x61: {  	_ =	swait.ge [sflag:s15], $0x400  }
0x62: {  	p1 =	por $0x1, $0x1;
	[sflag:s15] =	ssyncset.done $0x0  }
0x63: {  	s31 =	simm.s32 $0x1700;
	s20 =	simm.s32 $0x1000;
	[sflag:s15] =	ssyncadd.s32 $0xFFFFFC00  }
0x64: {  	[spmem:s3] =	stream.indirect.scatter.add.f32 [tilespmem:s29], [sflag:$0x2], $0x8, s31, s16, $0xb8;
	[tilespmem:$0x9000] =	vst v63  }
0x65: {  	s21 =	simm.s32 $0x8000;
	s22 =	simm.s32 $0x2000;
	_ =	swait.ge [sflag:s15], $0x400  }
0x66: {  	s23 =	simm.s32 $0x1;
	s25 =	simm.s32 $0x1780;
	[sflag:s15] =	ssyncset.done $0x0  }
.LBB2_2:
0x67: {  	s26 =	simm.s32 @!p1 $0x2  }
0x68: {  	[sflag:s15] =	ssyncadd.s32 $0xFFFFFC00;
	s28 =	smov.u32 s22;
	s22 =	sadd.s32 $0x1000, s22  }
0x69: {  	[spmem:s3] =	stream.indirect.scatter.add.f32 [tilespmem:s24], [sflag:$0x2], $0x8, s25, s16, $0xb8;
	[tilespmem:$0x9000] =	vst v63  }
0x6a: {  	p0 =	sne.s32 s22, $0x5000;
	_ =	swait.ge @!p1 [sflag:s26], $0x400  }
0x6b: {  	[sflag:s26] =	ssyncset.done @!p1 $0x0  }
0x6c: {  	[sflag:s26] =	ssyncadd.s32 @!p1 $0xFFFFFC00  }
0x6d: {  	_ =	swait.ge @!p1 [sflag:s26], $0x400  }
0x6e: {  	[sflag:s26] =	ssyncset.done @!p1 $0x0  }
0x6f: {  	[sflag:s26] =	ssyncadd.s32 @!p1 $0xFFFFFC00  }
0x70: {  	_ =	swait.ge @!p1 [sflag:s26], $0x400  }
0x71: {  	[sflag:s26] =	ssyncset.done @!p1 $0x0  }
0x72: {  	[sflag:s26] =	ssyncadd.s32 @!p1 $0xFFFFFC00  }
0x73: {  	_ =	swait.ge @!p1 [sflag:s26], $0x400  }
0x74: {  	[sflag:s26] =	ssyncset.done @!p1 $0x0  }
0x75: {  	[sflag:s26] =	ssyncadd.s32 @!p1 $0xFFFFFC00  }
0x76: {  	_ =	swait.ge @!p1 [sflag:s26], $0x400  }
0x77: {  	[sflag:s26] =	ssyncset.done @!p1 $0x0  }
0x78: {  	[sflag:s26] =	ssyncadd.s32 @!p1 $0xFFFFFC00  }
0x79: {  	_ =	swait.ge @!p1 [sflag:s26], $0x400  }
0x7a: {  	[sflag:s26] =	ssyncset.done @!p1 $0x0  }
0x7b: {  	[sflag:s26] =	ssyncadd.s32 @!p1 $0xFFFFFC00  }
0x7c: {  	_ =	swait.ge @!p1 [sflag:s26], $0x400  }
0x7d: {  	[sflag:s26] =	ssyncset.done @!p1 $0x0  }
0x7e: {  	[sflag:s26] =	ssyncadd.s32 @!p1 $0xFFFFFC00  }
0x7f: {  	s24 =	sand.u32 $0x8000, s21;
	_ =	swait.ge @!p1 [sflag:s26], $0x400  }
0x80: {  	s24 =	sshrl.u32 s24, $0x2;
	[sflag:s26] =	ssyncset.done @!p1 $0x0  }
0x81: {  	s25 =	sshra.s32 s20, $0x2;
	s30 =	sadd.s32 $0x2800, s24;
	[sflag:s26] =	ssyncadd.s32 @!p1 $0xFFFFFC00  }
0x82: {  	[tilespmem:s30], [sflag:$0x1] =	stream.indirect.gather [spmem:s2], $0x8, s25, s16, $0xb8;
	[tilespmem:$0x9000] =	vst v63  }
0x83: {  	s20 =	smov.u32 s28;
	s31 =	sadd.s32 $0x2C00, s24;
	s26 =	sadd.s32 $0x80, s25  }
0x84: {  	[tilespmem:s31], [sflag:$0x1] =	stream.indirect.gather [spmem:s2], $0x8, s26, s16, $0xb8;
	[tilespmem:$0x9000] =	vst v63  }
0x85: {  	s0 =	sadd.s32 $0x3000, s24;
	s26 =	sadd.s32 $0x100, s25  }
0x86: {  	[tilespmem:s0], [sflag:$0x1] =	stream.indirect.gather [spmem:s2], $0x8, s26, s16, $0xb8;
	[tilespmem:$0x9000] =	vst v63  }
0x87: {  	s1 =	sadd.s32 $0x3400, s24;
	s26 =	sadd.s32 $0x180, s25  }
0x88: {  	[tilespmem:s1], [sflag:$0x1] =	stream.indirect.gather [spmem:s2], $0x8, s26, s16, $0xb8;
	[tilespmem:$0x9000] =	vst v63  }
0x89: {  	s29 =	sadd.s32 $0x3800, s24;
	s26 =	sadd.s32 $0x200, s25  }
0x8a: {  	[tilespmem:s29], [sflag:$0x1] =	stream.indirect.gather [spmem:s2], $0x8, s26, s16, $0xb8;
	[tilespmem:$0x9000] =	vst v63  }
0x8b: {  	s28 =	sadd.s32 $0x3C00, s24;
	s26 =	sadd.s32 $0x280, s25  }
0x8c: {  	[tilespmem:s28], [sflag:$0x1] =	stream.indirect.gather [spmem:s2], $0x8, s26, s16, $0xb8;
	[tilespmem:$0x9000] =	vst v63  }
0x8d: {  	s14 =	sadd.s32 $0x300, s25;
	s26 =	sor.u32 $0x4000, s24  }
0x8e: {  	[tilespmem:s26], [sflag:$0x1] =	stream.indirect.gather [spmem:s2], $0x8, s14, s16, $0xb8;
	[tilespmem:$0x9000] =	vst v63  }
0x8f: {  	s24 =	sadd.s32 $0x4400, s24;
	s14 =	sadd.s32 $0x380, s25  }
0x90: {  	[tilespmem:s24], [sflag:$0x1] =	stream.indirect.gather [spmem:s2], $0x8, s14, s16, $0xb8;
	[tilespmem:$0x9000] =	vst v63  }
0x91: {  	_ =	swait.ge [sflag:s15], $0x400  }
0x92: {  	[sflag:s15] =	ssyncset.done $0x0  }
0x93: {  	s14 =	sadd.s32 $0x1400, s25;
	[sflag:s15] =	ssyncadd.s32 $0xFFFFFC00  }
0x94: {  	[spmem:s3] =	stream.indirect.scatter.add.f32 [tilespmem:s30], [sflag:$0x2], $0x8, s14, s16, $0xb8;
	[tilespmem:$0x9000] =	vst v63  }
0x95: {  	_ =	swait.ge [sflag:s15], $0x400  }
0x96: {  	[sflag:s15] =	ssyncset.done $0x0  }
0x97: {  	s14 =	sadd.s32 $0x1480, s25;
	[sflag:s15] =	ssyncadd.s32 $0xFFFFFC00  }
0x98: {  	[spmem:s3] =	stream.indirect.scatter.add.f32 [tilespmem:s31], [sflag:$0x2], $0x8, s14, s16, $0xb8;
	[tilespmem:$0x9000] =	vst v63  }
0x99: {  	_ =	swait.ge [sflag:s15], $0x400  }
0x9a: {  	[sflag:s15] =	ssyncset.done $0x0  }
0x9b: {  	s14 =	sadd.s32 $0x1500, s25;
	[sflag:s15] =	ssyncadd.s32 $0xFFFFFC00  }
0x9c: {  	[spmem:s3] =	stream.indirect.scatter.add.f32 [tilespmem:s0], [sflag:$0x2], $0x8, s14, s16, $0xb8;
	[tilespmem:$0x9000] =	vst v63  }
0x9d: {  	_ =	swait.ge [sflag:s15], $0x400  }
0x9e: {  	[sflag:s15] =	ssyncset.done $0x0  }
0x9f: {  	s0 =	sadd.s32 $0x1580, s25;
	[sflag:s15] =	ssyncadd.s32 $0xFFFFFC00  }
0xa0: {  	[spmem:s3] =	stream.indirect.scatter.add.f32 [tilespmem:s1], [sflag:$0x2], $0x8, s0, s16, $0xb8;
	[tilespmem:$0x9000] =	vst v63  }
0xa1: {  	_ =	swait.ge [sflag:s15], $0x400  }
0xa2: {  	[sflag:s15] =	ssyncset.done $0x0  }
0xa3: {  	s0 =	sadd.s32 $0x1600, s25;
	[sflag:s15] =	ssyncadd.s32 $0xFFFFFC00  }
0xa4: {  	[spmem:s3] =	stream.indirect.scatter.add.f32 [tilespmem:s29], [sflag:$0x2], $0x8, s0, s16, $0xb8;
	[tilespmem:$0x9000] =	vst v63  }
0xa5: {  	_ =	swait.ge [sflag:s15], $0x400  }
0xa6: {  	[sflag:s15] =	ssyncset.done $0x0  }
0xa7: {  	s0 =	sadd.s32 $0x1680, s25;
	[sflag:s15] =	ssyncadd.s32 $0xFFFFFC00  }
0xa8: {  	[spmem:s3] =	stream.indirect.scatter.add.f32 [tilespmem:s28], [sflag:$0x2], $0x8, s0, s16, $0xb8;
	[tilespmem:$0x9000] =	vst v63  }
0xa9: {  	_ =	swait.ge [sflag:s15], $0x400  }
.Ltmp0:
0xaa: {  	[sflag:s15] =	ssyncset.done $0x0;
	(pc) =	sbr.rel @p0 .LBB2_2-.Ltmp0, $4  }
0xab: {  	s0 =	sadd.s32 $0x1700, s25;
	[sflag:s15] =	ssyncadd.s32 $0xFFFFFC00  }
0xac: {  	[spmem:s3] =	stream.indirect.scatter.add.f32 [tilespmem:s26], [sflag:$0x2], $0x8, s0, s16, $0xb8;
	[tilespmem:$0x9000] =	vst v63  }
0xad: {  	s23 =	sadd.s32 $0x1, s23;
	s21 =	sadd.s32 $0x8000, s21;
	_ =	swait.ge [sflag:s15], $0x400  }
0xae: {  	p1 =	slt.u32 s23, $0x2;
	s25 =	sadd.s32 $0x1780, s25;
	[sflag:s15] =	ssyncset.done $0x0  }
0xaf: {  	s0 =	simm.s32 @!p1 $0x2;
	[sflag:s15] =	ssyncadd.s32 $0xFFFFFC00  }
0xb0: {  	[spmem:s3] =	stream.indirect.scatter.add.f32 [tilespmem:s24], [sflag:$0x2], $0x8, s25, s16, $0xb8;
	[tilespmem:$0x9000] =	vst v63  }
0xb1: {  	_ =	swait.ge @!p1 [sflag:s0], $0x400  }
0xb2: {  	[sflag:s0] =	ssyncset.done @!p1 $0x0  }
0xb3: {  	[sflag:s0] =	ssyncadd.s32 @!p1 $0xFFFFFC00  }
0xb4: {  	_ =	swait.ge @!p1 [sflag:s0], $0x400  }
0xb5: {  	[sflag:s0] =	ssyncset.done @!p1 $0x0  }
0xb6: {  	[sflag:s0] =	ssyncadd.s32 @!p1 $0xFFFFFC00  }
0xb7: {  	_ =	swait.ge @!p1 [sflag:s0], $0x400  }
0xb8: {  	[sflag:s0] =	ssyncset.done @!p1 $0x0  }
0xb9: {  	[sflag:s0] =	ssyncadd.s32 @!p1 $0xFFFFFC00  }
0xba: {  	_ =	swait.ge @!p1 [sflag:s0], $0x400  }
0xbb: {  	[sflag:s0] =	ssyncset.done @!p1 $0x0  }
0xbc: {  	[sflag:s0] =	ssyncadd.s32 @!p1 $0xFFFFFC00  }
0xbd: {  	_ =	swait.ge @!p1 [sflag:s0], $0x400  }
0xbe: {  	[sflag:s0] =	ssyncset.done @!p1 $0x0  }
0xbf: {  	[sflag:s0] =	ssyncadd.s32 @!p1 $0xFFFFFC00  }
0xc0: {  	_ =	swait.ge @!p1 [sflag:s0], $0x400  }
0xc1: {  	[sflag:s0] =	ssyncset.done @!p1 $0x0  }
0xc2: {  	[sflag:s0] =	ssyncadd.s32 @!p1 $0xFFFFFC00  }
0xc3: {  	_ =	swait.ge @!p1 [sflag:s0], $0x400  }
0xc4: {  	[sflag:s0] =	ssyncset.done @!p1 $0x0  }
0xc5: {  	[sflag:s0] =	ssyncadd.s32 @!p1 $0xFFFFFC00  }
0xc6: {  	s1 =	sand.u32 $0x8000, s21;
	_ =	swait.ge @!p1 [sflag:s0], $0x400  }
0xc7: {  	s1 =	sshrl.u32 s1, $0x2;
	[sflag:s0] =	ssyncset.done @!p1 $0x0  }
0xc8: {  	s14 =	sshra.s32 s20, $0x2;
	s31 =	sadd.s32 $0x2800, s1;
	[sflag:s0] =	ssyncadd.s32 @!p1 $0xFFFFFC00  }
0xc9: {  	[tilespmem:s31], [sflag:$0x1] =	stream.indirect.gather [spmem:s2], $0x8, s14, s16, $0xb8;
	[tilespmem:$0x9000] =	vst v63  }
0xca: {  	s25 =	sadd.s32 $0x80, s14;
	s20 =	sadd.s32 $0x2C00, s1  }
0xcb: {  	[tilespmem:s20], [sflag:$0x1] =	stream.indirect.gather [spmem:s2], $0x8, s25, s16, $0xb8;
	[tilespmem:$0x9000] =	vst v63  }
0xcc: {  	s22 =	sadd.s32 $0x100, s14;
	s21 =	sadd.s32 $0x3000, s1  }
0xcd: {  	[tilespmem:s21], [sflag:$0x1] =	stream.indirect.gather [spmem:s2], $0x8, s22, s16, $0xb8;
	[tilespmem:$0x9000] =	vst v63  }
0xce: {  	s23 =	sadd.s32 $0x180, s14;
	s22 =	sadd.s32 $0x3400, s1  }
0xcf: {  	[tilespmem:s22], [sflag:$0x1] =	stream.indirect.gather [spmem:s2], $0x8, s23, s16, $0xb8;
	[tilespmem:$0x9000] =	vst v63  }
0xd0: {  	s26 =	sadd.s32 $0x200, s14;
	s23 =	sadd.s32 $0x3800, s1  }
0xd1: {  	[tilespmem:s23], [sflag:$0x1] =	stream.indirect.gather [spmem:s2], $0x8, s26, s16, $0xb8;
	[tilespmem:$0x9000] =	vst v63  }
0xd2: {  	s28 =	sadd.s32 $0x280, s14;
	s24 =	sadd.s32 $0x3C00, s1  }
0xd3: {  	[tilespmem:s24], [sflag:$0x1] =	stream.indirect.gather [spmem:s2], $0x8, s28, s16, $0xb8;
	[tilespmem:$0x9000] =	vst v63  }
0xd4: {  	s25 =	sor.u32 $0x4000, s1;
	s26 =	sadd.s32 $0x300, s14  }
0xd5: {  	[tilespmem:s25], [sflag:$0x1] =	stream.indirect.gather [spmem:s2], $0x8, s26, s16, $0xb8;
	[tilespmem:$0x9000] =	vst v63  }
0xd6: {  	s29 =	sadd.s32 $0x380, s14;
	s1 =	sadd.s32 $0x4400, s1  }
0xd7: {  	[tilespmem:s1], [sflag:$0x1] =	stream.indirect.gather [spmem:s2], $0x8, s29, s16, $0xb8;
	[tilespmem:$0x9000] =	vst v63  }
0xd8: {  	_ =	swait.ge [sflag:s15], $0x400  }
0xd9: {  	[sflag:s15] =	ssyncset.done $0x0  }
0xda: {  	s30 =	sadd.s32 $0x1400, s14;
	[sflag:s15] =	ssyncadd.s32 $0xFFFFFC00  }
0xdb: {  	[spmem:s3] =	stream.indirect.scatter.add.f32 [tilespmem:s31], [sflag:$0x2], $0x8, s30, s16, $0xb8;
	[tilespmem:$0x9000] =	vst v63  }
0xdc: {  	_ =	swait.ge [sflag:s15], $0x400  }
0xdd: {  	[sflag:s15] =	ssyncset.done $0x0  }
0xde: {  	s31 =	sadd.s32 $0x1480, s14;
	[sflag:s15] =	ssyncadd.s32 $0xFFFFFC00  }
0xdf: {  	[spmem:s3] =	stream.indirect.scatter.add.f32 [tilespmem:s20], [sflag:$0x2], $0x8, s31, s16, $0xb8;
	[tilespmem:$0x9000] =	vst v63  }
0xe0: {  	_ =	swait.ge [sflag:s15], $0x400  }
0xe1: {  	[sflag:s15] =	ssyncset.done $0x0  }
0xe2: {  	s20 =	sadd.s32 $0x1500, s14;
	[sflag:s15] =	ssyncadd.s32 $0xFFFFFC00  }
0xe3: {  	[spmem:s3] =	stream.indirect.scatter.add.f32 [tilespmem:s21], [sflag:$0x2], $0x8, s20, s16, $0xb8;
	[tilespmem:$0x9000] =	vst v63  }
0xe4: {  	_ =	swait.ge [sflag:s15], $0x400  }
0xe5: {  	[sflag:s15] =	ssyncset.done $0x0  }
0xe6: {  	s21 =	sadd.s32 $0x1580, s14;
	[sflag:s15] =	ssyncadd.s32 $0xFFFFFC00  }
0xe7: {  	[spmem:s3] =	stream.indirect.scatter.add.f32 [tilespmem:s22], [sflag:$0x2], $0x8, s21, s16, $0xb8;
	[tilespmem:$0x9000] =	vst v63  }
0xe8: {  	_ =	swait.ge [sflag:s15], $0x400  }
0xe9: {  	[sflag:s15] =	ssyncset.done $0x0  }
0xea: {  	s26 =	sadd.s32 $0x1600, s14;
	[sflag:s15] =	ssyncadd.s32 $0xFFFFFC00  }
0xeb: {  	[spmem:s3] =	stream.indirect.scatter.add.f32 [tilespmem:s23], [sflag:$0x2], $0x8, s26, s16, $0xb8;
	[tilespmem:$0x9000] =	vst v63  }
0xec: {  	_ =	swait.ge [sflag:s15], $0x400  }
0xed: {  	[sflag:s15] =	ssyncset.done $0x0  }
0xee: {  	s28 =	sadd.s32 $0x1680, s14;
	[sflag:s15] =	ssyncadd.s32 $0xFFFFFC00  }
0xef: {  	[spmem:s3] =	stream.indirect.scatter.add.f32 [tilespmem:s24], [sflag:$0x2], $0x8, s28, s16, $0xb8;
	[tilespmem:$0x9000] =	vst v63  }
0xf0: {  	_ =	swait.ge [sflag:s15], $0x400  }
0xf1: {  	[sflag:s15] =	ssyncset.done $0x0  }
0xf2: {  	s29 =	sadd.s32 $0x1700, s14;
	[sflag:s15] =	ssyncadd.s32 $0xFFFFFC00  }
0xf3: {  	[spmem:s3] =	stream.indirect.scatter.add.f32 [tilespmem:s25], [sflag:$0x2], $0x8, s29, s16, $0xb8;
	[tilespmem:$0x9000] =	vst v63  }
0xf4: {  	_ =	swait.ge [sflag:s15], $0x400  }
0xf5: {  	[sflag:s15] =	ssyncset.done $0x0  }
0xf6: {  	s30 =	sadd.s32 $0x1780, s14;
	[sflag:s15] =	ssyncadd.s32 $0xFFFFFC00  }
0xf7: {  	[spmem:s3] =	stream.indirect.scatter.add.f32 [tilespmem:s1], [sflag:$0x2], $0x8, s30, s16, $0xb8;
	[tilespmem:$0x9000] =	vst v63  }
0xf8: {  	_ =	swait.ge [sflag:s17], $0x400  }
0xf9: {  	[sflag:s17] =	ssyncset.done $0x0  }
0xfa: {  	[sflag:s17] =	ssyncadd.s32 $0xFFFFFC00  }
0xfb: {  	_ =	swait.ge [sflag:s17], $0x400  }
0xfc: {  	[sflag:s17] =	ssyncset.done $0x0  }
0xfd: {  	[sflag:s17] =	ssyncadd.s32 $0xFFFFFC00  }
0xfe: {  	_ =	swait.ge [sflag:s17], $0x400  }
0xff: {  	[sflag:s17] =	ssyncset.done $0x0  }
0x100: {  	[sflag:s17] =	ssyncadd.s32 $0xFFFFFC00  }
0x101: {  	_ =	swait.ge [sflag:s17], $0x400  }
0x102: {  	[sflag:s17] =	ssyncset.done $0x0  }
0x103: {  	[sflag:s17] =	ssyncadd.s32 $0xFFFFFC00  }
0x104: {  	_ =	swait.ge [sflag:s17], $0x400  }
0x105: {  	[sflag:s17] =	ssyncset.done $0x0  }
0x106: {  	[sflag:s17] =	ssyncadd.s32 $0xFFFFFC00  }
0x107: {  	_ =	swait.ge [sflag:s17], $0x400  }
0x108: {  	[sflag:s17] =	ssyncset.done $0x0  }
0x109: {  	[sflag:s17] =	ssyncadd.s32 $0xFFFFFC00  }
0x10a: {  	_ =	swait.ge [sflag:s17], $0x400  }
0x10b: {  	[sflag:s17] =	ssyncset.done $0x0  }
0x10c: {  	[sflag:s17] =	ssyncadd.s32 $0xFFFFFC00  }
0x10d: {  	_ =	swait.ge [sflag:s17], $0x400  }
0x10e: {  	[sflag:s17] =	ssyncset.done $0x0  }
0x10f: {  	[sflag:s17] =	ssyncadd.s32 $0xFFFFFC00  }
0x110: {  	_ =	swait.ge [sflag:s17], $0x400  }
0x111: {  	[sflag:s17] =	ssyncset.done $0x0  }
0x112: {  	[sflag:s17] =	ssyncadd.s32 $0xFFFFFC00  }
0x113: {  	_ =	swait.ge [sflag:s17], $0x400  }
0x114: {  	[sflag:s17] =	ssyncset.done $0x0  }
0x115: {  	[sflag:s17] =	ssyncadd.s32 $0xFFFFFC00  }
0x116: {  	_ =	swait.ge [sflag:s17], $0x400  }
0x117: {  	[sflag:s17] =	ssyncset.done $0x0  }
0x118: {  	[sflag:s17] =	ssyncadd.s32 $0xFFFFFC00  }
0x119: {  	_ =	swait.ge [sflag:s17], $0x400  }
0x11a: {  	[sflag:s17] =	ssyncset.done $0x0  }
0x11b: {  	[sflag:s17] =	ssyncadd.s32 $0xFFFFFC00  }
0x11c: {  	_ =	swait.ge [sflag:s17], $0x400  }
0x11d: {  	[sflag:s17] =	ssyncset.done $0x0  }
0x11e: {  	[sflag:s17] =	ssyncadd.s32 $0xFFFFFC00  }
0x11f: {  	_ =	swait.ge [sflag:s17], $0x400  }
0x120: {  	[sflag:s17] =	ssyncset.done $0x0  }
0x121: {  	[sflag:s17] =	ssyncadd.s32 $0xFFFFFC00  }
0x122: {  	_ =	swait.ge [sflag:s17], $0x400  }
0x123: {  	[sflag:s17] =	ssyncset.done $0x0  }
0x124: {  	[sflag:s17] =	ssyncadd.s32 $0xFFFFFC00  }
0x125: {  	_ =	swait.ge [sflag:s17], $0x400  }
0x126: {  	s19 =	sadd.s32 $0x1, s19;
	[sflag:s17] =	ssyncset.done $0x0  }
0x127: {  	p0 =	sne.s32 s19, s11;
	[sflag:s17] =	ssyncadd.s32 $0xFFFFFC00  }
.Ltmp1:
0x128: {  	s31 =	sor.u32 $0x1C03, s5;
	[bflag:$0x0] =	sbarrier.arrive $0xFFFF;
	(pc) =	sbr.rel @p0 .LBB2_1-.Ltmp1, $4  }
0x129: {  	[hbm:s10], [sflag:s31] =	dma.local [spmem:s13], $0x280  }
0x12a: {  	_ =	swait.ge [sflag:s18], $0x280  }
0x12b: {  	[sflag:s18] =	ssyncset.done $0x0  }
0x12c: {  	[sflag:s18] =	ssyncadd.s32 $0xFFFFFD80  }
0x12d: {  	_ =	sfence.sel $0x180000  }
0x12e: {  	[bflag:$0x0] =	sbarrier.arrive $0xFFFF  }
0x12f: {  	_ =	strace $0x90000047  }
0x130: {  	s0 =	stileid.u32;
	[bflag:$0x2] =	sbarrier.arrive $0xFFFF  }
0x131: {  	p0 =	sne.s32 s0, $0x0;
	s0 =	rddreg [dreg:$0x3]  }
0x132: {  	s0 =	sadd.s32 @!p0 $0x100000, s0  }
0x133: {  	[sflag:s0] =	ssyncadd.tile.s32 @!p0 $0x1;
	_ =	shalt  }
.Lfunc_end2:
_tile_overlayer_lowered:
.L_overlay_start_2:
0x134: {  	(tag) =	ssettag $0x2  }
0x135: {  	s0 =	rddreg [dreg:$0x0];
	s2 =	stileid.u32  }
0x136: {  	s1 =	rddreg [dreg:$0x1];
	p0 =	sne.s32 s2, $0x0  }
0x137: {  	s3 =	rddreg [dreg:$0x2];
	[bflag:$0x3] =	sbarrier.arrive $0xFFFF;
	s2 =	simm.s32 @!p0 $0x1C03  }
0x138: {  	[timem:s3], [sflag:s2] =	dma.local @!p0 [hbm:s0], s1  }
0x139: {  	s0 =	simm.s32 @!p0 $0x3  }
0x13a: {  	_ =	swait.ge @!p0 [sflag:s0], s1  }
0x13b: {  	s1 =	ssub.s32 @!p0 $0x0, s1;
	[sflag:s0] =	ssyncset.done @!p0 $0x0  }
0x13c: {  	[sflag:s0] =	ssyncadd.s32 @!p0 s1  }
0x13d: {  	[bflag:$0x3] =	sbarrier.arrive $0xFFFF  }
0x13e: {  	_ =	shalt  }

</sc_bundles>
